<compile_context>
chip_gen: v7x
topology: tpu7x:2x2x1
jax: 0.10.2.dev20260603
libtpu: 0.0.44.dev20260713+nightly
codegen_flags: <defaults>
</compile_context>

<pallas_src>
import functools

import jax
import jax.numpy as jnp
from jax import lax
from jax.experimental import pallas as pl
from jax.experimental.pallas import tpu as pltpu
from jax.experimental.pallas import tpu_sc as plsc

NINP = 64
NW = 32
CHUNK = 128
NBUF = 8


@functools.partial(jax.jit, static_argnames=("n_chunks",))
def _sc_gather(weight, idx3, *, n_chunks):
    mesh = plsc.VectorSubcoreMesh(core_axis_name="c", subcore_axis_name="s")
    n_groups = n_chunks // NBUF

    def body(weight_hbm, idx_hbm, out_hbm, idx_v, bufs, *gsems):
        wid = lax.axis_index("s") * 2 + lax.axis_index("c")
        pltpu.sync_copy(idx_hbm.at[wid], idx_v)

        def start_gather(j, b):
            pltpu.async_copy(weight_hbm.at[idx_v.at[j]], bufs.at[b], gsems[b])

        def wait_gather(b):
            pltpu.make_async_copy(
                weight_hbm.at[pl.ds(0, CHUNK)], bufs.at[b], gsems[b]
            ).wait()

        for b in range(NBUF):
            start_gather(b, b)

        def group(g, carry):
            for b in range(NBUF):
                j = g * NBUF + b
                wait_gather(b)
                pltpu.sync_copy(bufs.at[b], out_hbm.at[wid, j])
                nj = j + NBUF

                @pl.when(nj < n_chunks)
                def _():
                    start_gather(nj, b)

            return carry

        lax.fori_loop(0, n_groups, group, 0)
        if n_chunks % NBUF:
            for b in range(n_chunks % NBUF):
                j = n_groups * NBUF + b
                wait_gather(b)
                pltpu.sync_copy(bufs.at[b], out_hbm.at[wid, j])

    call = pl.kernel(
        body,
        out_type=jax.ShapeDtypeStruct((NW, n_chunks, CHUNK, NINP), jnp.float32),
        mesh=mesh,
        compiler_params=pltpu.CompilerParams(use_tc_tiling_on_sc=False),
        scratch_types=[
            pltpu.VMEM((n_chunks, CHUNK), jnp.int32),
            pltpu.VMEM((NBUF, CHUNK, NINP), jnp.float32),
        ] + [pltpu.SemaphoreType.DMA] * NBUF,
    )
    return call(weight, idx3)


def kernel(input, weight):
    b, h = input.shape
    n = b * h
    idxf = input.reshape(n).astype(jnp.int32)
    rem = (-n) % (NW * CHUNK)
    if rem:
        idxf = jnp.pad(idxf, (0, rem))
    n_chunks = (n + rem) // (NW * CHUNK)
    idx3 = idxf.reshape(NW, n_chunks, CHUNK)
    out = _sc_gather(weight, idx3, n_chunks=n_chunks)
    return out.reshape(NW * n_chunks * CHUNK, NINP)[:n].reshape(b, h, NINP)

# --- scband reference (transcript-rebuilt; emitter-appended) ---
"""Pipeline reference for scband-encoder-22591527977375 (READ-ONLY COPY).

The authoritative reference and input builder live on the scoring server;
editing this copy changes nothing except your own understanding.
"""

import jax, jax.numpy as jnp
import numpy as np

NTOKEN = 1000000
NINP = 64
BATCH = 16384
HIST = 50

def setup_inputs(seed: int = 0) -> dict:
    key = jax.random.key(seed)
    k_idx, k_w = jax.random.split(key)
    input_ids = jax.random.randint(k_idx, (BATCH, HIST), 0, NTOKEN, dtype=jnp.int64 if jax.config.jax_enable_x64 else jnp.int32)
    weight = jax.random.uniform(k_w, (NTOKEN, NINP), dtype=jnp.float32, minval=-0.1, maxval=0.1)
    return {"input": input_ids, "weight": weight}

def reference(input, weight):
    # Embedding lookup: gather rows of the table.
    # Dropout is evaluated in inference mode (identity), matching module.eval().
    emb = jnp.take(weight, input, axis=0)  # [B, L, ninp]
    return emb

if __name__ == "__main__":
    import jax
    _d = setup_inputs()
    print(jax.jit(kernel)(*tuple(_d.values())))

</pallas_src>

<mosaic_0001>
#map = affine_map<(d0, d1) -> (0, 0)>
#map1 = affine_map<(d0, d1) -> (0, 0, 0)>
#map2 = affine_map<(d0, d1) -> (0, 0, 0, 0)>
module attributes {stable_mosaic.version = 14 : i64} {
  func.func @body(%arg0: i32, %arg1: i32, %arg2: memref<1000000x64xf32, #tpu.memory_space<hbm>>, %arg3: memref<32x200x128xi32, #tpu.memory_space<hbm>>, %arg4: memref<32x200x128x64xf32, #tpu.memory_space<hbm>>, %arg5: memref<200x128xi32, #tpu.memory_space<vmem>>, %arg6: memref<8x128x64xf32, #tpu.memory_space<vmem>>, %arg7: memref<!tpu.dma_semaphore, #tpu.memory_space<semaphore_mem>>, %arg8: memref<!tpu.dma_semaphore, #tpu.memory_space<semaphore_mem>>, %arg9: memref<!tpu.dma_semaphore, #tpu.memory_space<semaphore_mem>>, %arg10: memref<!tpu.dma_semaphore, #tpu.memory_space<semaphore_mem>>, %arg11: memref<!tpu.dma_semaphore, #tpu.memory_space<semaphore_mem>>, %arg12: memref<!tpu.dma_semaphore, #tpu.memory_space<semaphore_mem>>, %arg13: memref<!tpu.dma_semaphore, #tpu.memory_space<semaphore_mem>>, %arg14: memref<!tpu.dma_semaphore, #tpu.memory_space<semaphore_mem>>) attributes {dimension_semantics = [#tpu.dimension_semantics<core_parallel>, #tpu.dimension_semantics<subcore_parallel>], iteration_bounds = array<i64: 2, 16>, scalar_prefetch = 0 : i64, scratch_operands = 10 : i64, tpu.core_type = #tpu.core_type<sc_vector_subcore>, window_params = [{transform_indices = #map}, {transform_indices = #map1}, {transform_indices = #map2}]} {
    %mul3A = arith.constant 2 : i32
    %mul3A_0 = arith.muli %arg1, %mul3A : i32
    %add3A = arith.addi %mul3A_0, %arg0 : i32
    "tpu.region"() ({
      %run_scoped3A = tpu.sem_alloc : memref<!tpu.dma_semaphore, #tpu.memory_space<semaphore_mem>>
      %dma_start3A_101 = arith.constant 0 : i32
      %dma_start3A_102 = arith.constant 0 : i32
      %dma_start3A_103 = tpu.memref_slice %arg3[%add3A, %dma_start3A_101, %dma_start3A_102] : memref<32x200x128xi32, #tpu.memory_space<hbm>> -> memref<1x200x128xi32, #tpu.memory_space<hbm>>
      %dma_start3A_104 = tpu.memref_squeeze %dma_start3A_103 : memref<1x200x128xi32, #tpu.memory_space<hbm>> -> memref<200x128xi32, #tpu.memory_space<hbm>>
      %dma_start3A_105 = arith.constant 0 : i32
      %dma_start3A_106 = arith.constant 0 : i32
      %dma_start3A_107 = tpu.memref_slice %arg3[%add3A, %dma_start3A_105, %dma_start3A_106] : memref<32x200x128xi32, #tpu.memory_space<hbm>> -> memref<1x200x128xi32, #tpu.memory_space<hbm>>
      %dma_start3A_108 = tpu.memref_squeeze %dma_start3A_107 : memref<1x200x128xi32, #tpu.memory_space<hbm>> -> memref<200x128xi32, #tpu.memory_space<hbm>>
      tpu.enqueue_dma source(%dma_start3A_108 : memref<200x128xi32, #tpu.memory_space<hbm>>) target(%arg5 : memref<200x128xi32, #tpu.memory_space<vmem>>) target_semaphore(%run_scoped3A : memref<!tpu.dma_semaphore, #tpu.memory_space<semaphore_mem>>)
      %dma_wait3A = arith.constant 0 : i32
      %dma_wait3A_109 = arith.constant 0 : i32
      %dma_wait3A_110 = tpu.memref_slice %arg3[%add3A, %dma_wait3A, %dma_wait3A_109] : memref<32x200x128xi32, #tpu.memory_space<hbm>> -> memref<1x200x128xi32, #tpu.memory_space<hbm>>
      %dma_wait3A_111 = tpu.memref_squeeze %dma_wait3A_110 : memref<1x200x128xi32, #tpu.memory_space<hbm>> -> memref<200x128xi32, #tpu.memory_space<hbm>>
      %dma_wait3A_112 = arith.constant 0 : i32
      %dma_wait3A_113 = arith.constant 0 : i32
      %dma_wait3A_114 = tpu.memref_slice %arg3[%add3A, %dma_wait3A_112, %dma_wait3A_113] : memref<32x200x128xi32, #tpu.memory_space<hbm>> -> memref<1x200x128xi32, #tpu.memory_space<hbm>>
      %dma_wait3A_115 = tpu.memref_squeeze %dma_wait3A_114 : memref<1x200x128xi32, #tpu.memory_space<hbm>> -> memref<200x128xi32, #tpu.memory_space<hbm>>
      tpu.wait_dma2 semaphore(%run_scoped3A : memref<!tpu.dma_semaphore, #tpu.memory_space<semaphore_mem>>) src(%dma_wait3A_115 : memref<200x128xi32, #tpu.memory_space<hbm>>) dst(%arg5 : memref<200x128xi32, #tpu.memory_space<vmem>>)
      tpu.yield
    }) : () -> ()
    %dma_start3A = arith.constant 0 : i32
    %dma_start3A_1 = arith.constant 0 : i32
    %dma_start3A_2 = arith.constant 0 : i32
    %dma_start3A_3 = arith.constant 0 : i32
    %dma_start3A_4 = tpu.memref_slice %arg6[%dma_start3A_1, %dma_start3A_2, %dma_start3A_3] : memref<8x128x64xf32, #tpu.memory_space<vmem>> -> memref<1x128x64xf32, #tpu.memory_space<vmem>>
    %dma_start3A_5 = tpu.memref_squeeze %dma_start3A_4 : memref<1x128x64xf32, #tpu.memory_space<vmem>> -> memref<128x64xf32, #tpu.memory_space<vmem>>
    %dma_start3A_6 = arith.constant 0 : i32
    %dma_start3A_7 = tpu.memref_slice %arg5[%dma_start3A, %dma_start3A_6] : memref<200x128xi32, #tpu.memory_space<vmem>> -> memref<1x128xi32, #tpu.memory_space<vmem>>
    %dma_start3A_8 = tpu.memref_squeeze %dma_start3A_7 : memref<1x128xi32, #tpu.memory_space<vmem>> -> memref<128xi32, #tpu.memory_space<vmem>>
    %dma_start3A_9 = arith.constant 0 : i32
    %dma_start3A_10 = arith.constant 0 : i32
    %dma_start3A_11 = tpu.memref_slice %arg2[%dma_start3A_9, %dma_start3A_10] : memref<1000000x64xf32, #tpu.memory_space<hbm>> -> memref<1000000x64xf32, #tpu.memory_space<hbm>>
    tpu.enqueue_indirect_dma source(%dma_start3A_11 : memref<1000000x64xf32, #tpu.memory_space<hbm>>) target(%dma_start3A_5 : memref<128x64xf32, #tpu.memory_space<vmem>>) offsets(%dma_start3A_8 : memref<128xi32, #tpu.memory_space<vmem>>) semaphore(%arg7 : memref<!tpu.dma_semaphore, #tpu.memory_space<semaphore_mem>>)
    %dma_start3A_12 = arith.constant 1 : i32
    %dma_start3A_13 = arith.constant 1 : i32
    %dma_start3A_14 = arith.constant 0 : i32
    %dma_start3A_15 = arith.constant 0 : i32
    %dma_start3A_16 = tpu.memref_slice %arg6[%dma_start3A_13, %dma_start3A_14, %dma_start3A_15] : memref<8x128x64xf32, #tpu.memory_space<vmem>> -> memref<1x128x64xf32, #tpu.memory_space<vmem>>
    %dma_start3A_17 = tpu.memref_squeeze %dma_start3A_16 : memref<1x128x64xf32, #tpu.memory_space<vmem>> -> memref<128x64xf32, #tpu.memory_space<vmem>>
    %dma_start3A_18 = arith.constant 0 : i32
    %dma_start3A_19 = tpu.memref_slice %arg5[%dma_start3A_12, %dma_start3A_18] : memref<200x128xi32, #tpu.memory_space<vmem>> -> memref<1x128xi32, #tpu.memory_space<vmem>>
    %dma_start3A_20 = tpu.memref_squeeze %dma_start3A_19 : memref<1x128xi32, #tpu.memory_space<vmem>> -> memref<128xi32, #tpu.memory_space<vmem>>
    %dma_start3A_21 = arith.constant 0 : i32
    %dma_start3A_22 = arith.constant 0 : i32
    %dma_start3A_23 = tpu.memref_slice %arg2[%dma_start3A_21, %dma_start3A_22] : memref<1000000x64xf32, #tpu.memory_space<hbm>> -> memref<1000000x64xf32, #tpu.memory_space<hbm>>
    tpu.enqueue_indirect_dma source(%dma_start3A_23 : memref<1000000x64xf32, #tpu.memory_space<hbm>>) target(%dma_start3A_17 : memref<128x64xf32, #tpu.memory_space<vmem>>) offsets(%dma_start3A_20 : memref<128xi32, #tpu.memory_space<vmem>>) semaphore(%arg8 : memref<!tpu.dma_semaphore, #tpu.memory_space<semaphore_mem>>)
    %dma_start3A_24 = arith.constant 2 : i32
    %dma_start3A_25 = arith.constant 2 : i32
    %dma_start3A_26 = arith.constant 0 : i32
    %dma_start3A_27 = arith.constant 0 : i32
    %dma_start3A_28 = tpu.memref_slice %arg6[%dma_start3A_25, %dma_start3A_26, %dma_start3A_27] : memref<8x128x64xf32, #tpu.memory_space<vmem>> -> memref<1x128x64xf32, #tpu.memory_space<vmem>>
    %dma_start3A_29 = tpu.memref_squeeze %dma_start3A_28 : memref<1x128x64xf32, #tpu.memory_space<vmem>> -> memref<128x64xf32, #tpu.memory_space<vmem>>
    %dma_start3A_30 = arith.constant 0 : i32
    %dma_start3A_31 = tpu.memref_slice %arg5[%dma_start3A_24, %dma_start3A_30] : memref<200x128xi32, #tpu.memory_space<vmem>> -> memref<1x128xi32, #tpu.memory_space<vmem>>
    %dma_start3A_32 = tpu.memref_squeeze %dma_start3A_31 : memref<1x128xi32, #tpu.memory_space<vmem>> -> memref<128xi32, #tpu.memory_space<vmem>>
    %dma_start3A_33 = arith.constant 0 : i32
    %dma_start3A_34 = arith.constant 0 : i32
    %dma_start3A_35 = tpu.memref_slice %arg2[%dma_start3A_33, %dma_start3A_34] : memref<1000000x64xf32, #tpu.memory_space<hbm>> -> memref<1000000x64xf32, #tpu.memory_space<hbm>>
    tpu.enqueue_indirect_dma source(%dma_start3A_35 : memref<1000000x64xf32, #tpu.memory_space<hbm>>) target(%dma_start3A_29 : memref<128x64xf32, #tpu.memory_space<vmem>>) offsets(%dma_start3A_32 : memref<128xi32, #tpu.memory_space<vmem>>) semaphore(%arg9 : memref<!tpu.dma_semaphore, #tpu.memory_space<semaphore_mem>>)
    %dma_start3A_36 = arith.constant 3 : i32
    %dma_start3A_37 = arith.constant 3 : i32
    %dma_start3A_38 = arith.constant 0 : i32
    %dma_start3A_39 = arith.constant 0 : i32
    %dma_start3A_40 = tpu.memref_slice %arg6[%dma_start3A_37, %dma_start3A_38, %dma_start3A_39] : memref<8x128x64xf32, #tpu.memory_space<vmem>> -> memref<1x128x64xf32, #tpu.memory_space<vmem>>
    %dma_start3A_41 = tpu.memref_squeeze %dma_start3A_40 : memref<1x128x64xf32, #tpu.memory_space<vmem>> -> memref<128x64xf32, #tpu.memory_space<vmem>>
    %dma_start3A_42 = arith.constant 0 : i32
    %dma_start3A_43 = tpu.memref_slice %arg5[%dma_start3A_36, %dma_start3A_42] : memref<200x128xi32, #tpu.memory_space<vmem>> -> memref<1x128xi32, #tpu.memory_space<vmem>>
    %dma_start3A_44 = tpu.memref_squeeze %dma_start3A_43 : memref<1x128xi32, #tpu.memory_space<vmem>> -> memref<128xi32, #tpu.memory_space<vmem>>
    %dma_start3A_45 = arith.constant 0 : i32
    %dma_start3A_46 = arith.constant 0 : i32
    %dma_start3A_47 = tpu.memref_slice %arg2[%dma_start3A_45, %dma_start3A_46] : memref<1000000x64xf32, #tpu.memory_space<hbm>> -> memref<1000000x64xf32, #tpu.memory_space<hbm>>
    tpu.enqueue_indirect_dma source(%dma_start3A_47 : memref<1000000x64xf32, #tpu.memory_space<hbm>>) target(%dma_start3A_41 : memref<128x64xf32, #tpu.memory_space<vmem>>) offsets(%dma_start3A_44 : memref<128xi32, #tpu.memory_space<vmem>>) semaphore(%arg10 : memref<!tpu.dma_semaphore, #tpu.memory_space<semaphore_mem>>)
    %dma_start3A_48 = arith.constant 4 : i32
    %dma_start3A_49 = arith.constant 4 : i32
    %dma_start3A_50 = arith.constant 0 : i32
    %dma_start3A_51 = arith.constant 0 : i32
    %dma_start3A_52 = tpu.memref_slice %arg6[%dma_start3A_49, %dma_start3A_50, %dma_start3A_51] : memref<8x128x64xf32, #tpu.memory_space<vmem>> -> memref<1x128x64xf32, #tpu.memory_space<vmem>>
    %dma_start3A_53 = tpu.memref_squeeze %dma_start3A_52 : memref<1x128x64xf32, #tpu.memory_space<vmem>> -> memref<128x64xf32, #tpu.memory_space<vmem>>
    %dma_start3A_54 = arith.constant 0 : i32
    %dma_start3A_55 = tpu.memref_slice %arg5[%dma_start3A_48, %dma_start3A_54] : memref<200x128xi32, #tpu.memory_space<vmem>> -> memref<1x128xi32, #tpu.memory_space<vmem>>
    %dma_start3A_56 = tpu.memref_squeeze %dma_start3A_55 : memref<1x128xi32, #tpu.memory_space<vmem>> -> memref<128xi32, #tpu.memory_space<vmem>>
    %dma_start3A_57 = arith.constant 0 : i32
    %dma_start3A_58 = arith.constant 0 : i32
    %dma_start3A_59 = tpu.memref_slice %arg2[%dma_start3A_57, %dma_start3A_58] : memref<1000000x64xf32, #tpu.memory_space<hbm>> -> memref<1000000x64xf32, #tpu.memory_space<hbm>>
    tpu.enqueue_indirect_dma source(%dma_start3A_59 : memref<1000000x64xf32, #tpu.memory_space<hbm>>) target(%dma_start3A_53 : memref<128x64xf32, #tpu.memory_space<vmem>>) offsets(%dma_start3A_56 : memref<128xi32, #tpu.memory_space<vmem>>) semaphore(%arg11 : memref<!tpu.dma_semaphore, #tpu.memory_space<semaphore_mem>>)
    %dma_start3A_60 = arith.constant 5 : i32
    %dma_start3A_61 = arith.constant 5 : i32
    %dma_start3A_62 = arith.constant 0 : i32
    %dma_start3A_63 = arith.constant 0 : i32
    %dma_start3A_64 = tpu.memref_slice %arg6[%dma_start3A_61, %dma_start3A_62, %dma_start3A_63] : memref<8x128x64xf32, #tpu.memory_space<vmem>> -> memref<1x128x64xf32, #tpu.memory_space<vmem>>
    %dma_start3A_65 = tpu.memref_squeeze %dma_start3A_64 : memref<1x128x64xf32, #tpu.memory_space<vmem>> -> memref<128x64xf32, #tpu.memory_space<vmem>>
    %dma_start3A_66 = arith.constant 0 : i32
    %dma_start3A_67 = tpu.memref_slice %arg5[%dma_start3A_60, %dma_start3A_66] : memref<200x128xi32, #tpu.memory_space<vmem>> -> memref<1x128xi32, #tpu.memory_space<vmem>>
    %dma_start3A_68 = tpu.memref_squeeze %dma_start3A_67 : memref<1x128xi32, #tpu.memory_space<vmem>> -> memref<128xi32, #tpu.memory_space<vmem>>
    %dma_start3A_69 = arith.constant 0 : i32
    %dma_start3A_70 = arith.constant 0 : i32
    %dma_start3A_71 = tpu.memref_slice %arg2[%dma_start3A_69, %dma_start3A_70] : memref<1000000x64xf32, #tpu.memory_space<hbm>> -> memref<1000000x64xf32, #tpu.memory_space<hbm>>
    tpu.enqueue_indirect_dma source(%dma_start3A_71 : memref<1000000x64xf32, #tpu.memory_space<hbm>>) target(%dma_start3A_65 : memref<128x64xf32, #tpu.memory_space<vmem>>) offsets(%dma_start3A_68 : memref<128xi32, #tpu.memory_space<vmem>>) semaphore(%arg12 : memref<!tpu.dma_semaphore, #tpu.memory_space<semaphore_mem>>)
    %dma_start3A_72 = arith.constant 6 : i32
    %dma_start3A_73 = arith.constant 6 : i32
    %dma_start3A_74 = arith.constant 0 : i32
    %dma_start3A_75 = arith.constant 0 : i32
    %dma_start3A_76 = tpu.memref_slice %arg6[%dma_start3A_73, %dma_start3A_74, %dma_start3A_75] : memref<8x128x64xf32, #tpu.memory_space<vmem>> -> memref<1x128x64xf32, #tpu.memory_space<vmem>>
    %dma_start3A_77 = tpu.memref_squeeze %dma_start3A_76 : memref<1x128x64xf32, #tpu.memory_space<vmem>> -> memref<128x64xf32, #tpu.memory_space<vmem>>
    %dma_start3A_78 = arith.constant 0 : i32
    %dma_start3A_79 = tpu.memref_slice %arg5[%dma_start3A_72, %dma_start3A_78] : memref<200x128xi32, #tpu.memory_space<vmem>> -> memref<1x128xi32, #tpu.memory_space<vmem>>
    %dma_start3A_80 = tpu.memref_squeeze %dma_start3A_79 : memref<1x128xi32, #tpu.memory_space<vmem>> -> memref<128xi32, #tpu.memory_space<vmem>>
    %dma_start3A_81 = arith.constant 0 : i32
    %dma_start3A_82 = arith.constant 0 : i32
    %dma_start3A_83 = tpu.memref_slice %arg2[%dma_start3A_81, %dma_start3A_82] : memref<1000000x64xf32, #tpu.memory_space<hbm>> -> memref<1000000x64xf32, #tpu.memory_space<hbm>>
    tpu.enqueue_indirect_dma source(%dma_start3A_83 : memref<1000000x64xf32, #tpu.memory_space<hbm>>) target(%dma_start3A_77 : memref<128x64xf32, #tpu.memory_space<vmem>>) offsets(%dma_start3A_80 : memref<128xi32, #tpu.memory_space<vmem>>) semaphore(%arg13 : memref<!tpu.dma_semaphore, #tpu.memory_space<semaphore_mem>>)
    %dma_start3A_84 = arith.constant 7 : i32
    %dma_start3A_85 = arith.constant 7 : i32
    %dma_start3A_86 = arith.constant 0 : i32
    %dma_start3A_87 = arith.constant 0 : i32
    %dma_start3A_88 = tpu.memref_slice %arg6[%dma_start3A_85, %dma_start3A_86, %dma_start3A_87] : memref<8x128x64xf32, #tpu.memory_space<vmem>> -> memref<1x128x64xf32, #tpu.memory_space<vmem>>
    %dma_start3A_89 = tpu.memref_squeeze %dma_start3A_88 : memref<1x128x64xf32, #tpu.memory_space<vmem>> -> memref<128x64xf32, #tpu.memory_space<vmem>>
    %dma_start3A_90 = arith.constant 0 : i32
    %dma_start3A_91 = tpu.memref_slice %arg5[%dma_start3A_84, %dma_start3A_90] : memref<200x128xi32, #tpu.memory_space<vmem>> -> memref<1x128xi32, #tpu.memory_space<vmem>>
    %dma_start3A_92 = tpu.memref_squeeze %dma_start3A_91 : memref<1x128xi32, #tpu.memory_space<vmem>> -> memref<128xi32, #tpu.memory_space<vmem>>
    %dma_start3A_93 = arith.constant 0 : i32
    %dma_start3A_94 = arith.constant 0 : i32
    %dma_start3A_95 = tpu.memref_slice %arg2[%dma_start3A_93, %dma_start3A_94] : memref<1000000x64xf32, #tpu.memory_space<hbm>> -> memref<1000000x64xf32, #tpu.memory_space<hbm>>
    tpu.enqueue_indirect_dma source(%dma_start3A_95 : memref<1000000x64xf32, #tpu.memory_space<hbm>>) target(%dma_start3A_89 : memref<128x64xf32, #tpu.memory_space<vmem>>) offsets(%dma_start3A_92 : memref<128xi32, #tpu.memory_space<vmem>>) semaphore(%arg14 : memref<!tpu.dma_semaphore, #tpu.memory_space<semaphore_mem>>)
    %scan3A = arith.constant 0 : i32
    %scan3A_96 = arith.constant 0 : i32
    %scan3A_97 = arith.constant 25 : i32
    %scan3A_98 = arith.addi %scan3A_96, %scan3A_97 : i32
    %scan3A_99 = arith.constant 1 : i32
    scf.for %scan3A_101 = %scan3A_96 to %scan3A_98 step %scan3A_99  : i32 {
      %mul3A_102 = arith.constant 8 : i32
      %mul3A_103 = arith.muli %scan3A_101, %mul3A_102 : i32
      %add3A_104 = arith.constant 0 : i32
      %add3A_105 = arith.addi %mul3A_103, %add3A_104 : i32
      %dma_wait3A = arith.constant 0 : i32
      %dma_wait3A_106 = arith.constant 0 : i32
      %dma_wait3A_107 = arith.constant 0 : i32
      %dma_wait3A_108 = tpu.memref_slice %arg6[%dma_wait3A, %dma_wait3A_106, %dma_wait3A_107] : memref<8x128x64xf32, #tpu.memory_space<vmem>> -> memref<1x128x64xf32, #tpu.memory_space<vmem>>
      %dma_wait3A_109 = tpu.memref_squeeze %dma_wait3A_108 : memref<1x128x64xf32, #tpu.memory_space<vmem>> -> memref<128x64xf32, #tpu.memory_space<vmem>>
      %dma_wait3A_110 = arith.constant 0 : i32
      %dma_wait3A_111 = arith.constant 0 : i32
      %dma_wait3A_112 = tpu.memref_slice %arg2[%dma_wait3A_110, %dma_wait3A_111] : memref<1000000x64xf32, #tpu.memory_space<hbm>> -> memref<128x64xf32, #tpu.memory_space<hbm>>
      %dma_wait3A_113 = arith.constant 0 : i32
      %dma_wait3A_114 = arith.constant 0 : i32
      %dma_wait3A_115 = tpu.memref_slice %arg6[%dma_wait3A, %dma_wait3A_113, %dma_wait3A_114] : memref<8x128x64xf32, #tpu.memory_space<vmem>> -> memref<1x128x64xf32, #tpu.memory_space<vmem>>
      %dma_wait3A_116 = tpu.memref_squeeze %dma_wait3A_115 : memref<1x128x64xf32, #tpu.memory_space<vmem>> -> memref<128x64xf32, #tpu.memory_space<vmem>>
      %dma_wait3A_117 = arith.constant 0 : i32
      %dma_wait3A_118 = arith.constant 0 : i32
      %dma_wait3A_119 = tpu.memref_slice %arg2[%dma_wait3A_117, %dma_wait3A_118] : memref<1000000x64xf32, #tpu.memory_space<hbm>> -> memref<128x64xf32, #tpu.memory_space<hbm>>
      tpu.wait_dma2 semaphore(%arg7 : memref<!tpu.dma_semaphore, #tpu.memory_space<semaphore_mem>>) src(%dma_wait3A_119 : memref<128x64xf32, #tpu.memory_space<hbm>>) dst(%dma_wait3A_116 : memref<128x64xf32, #tpu.memory_space<vmem>>)
      %run_scoped3A = arith.constant 0 : i32
      "tpu.region"() ({
        %run_scoped3A_313 = tpu.sem_alloc : memref<!tpu.dma_semaphore, #tpu.memory_space<semaphore_mem>>
        %dma_start3A_314 = arith.constant 0 : i32
        %dma_start3A_315 = arith.constant 0 : i32
        %dma_start3A_316 = tpu.memref_slice %arg6[%run_scoped3A, %dma_start3A_314, %dma_start3A_315] : memref<8x128x64xf32, #tpu.memory_space<vmem>> -> memref<1x128x64xf32, #tpu.memory_space<vmem>>
        %dma_start3A_317 = tpu.memref_squeeze %dma_start3A_316 : memref<1x128x64xf32, #tpu.memory_space<vmem>> -> memref<128x64xf32, #tpu.memory_space<vmem>>
        %dma_start3A_318 = arith.constant 0 : i32
        %dma_start3A_319 = arith.constant 0 : i32
        %dma_start3A_320 = tpu.memref_slice %arg4[%add3A, %add3A_105, %dma_start3A_318, %dma_start3A_319] : memref<32x200x128x64xf32, #tpu.memory_space<hbm>> -> memref<1x1x128x64xf32, #tpu.memory_space<hbm>>
        %dma_start3A_321 = tpu.memref_squeeze %dma_start3A_320 : memref<1x1x128x64xf32, #tpu.memory_space<hbm>> -> memref<128x64xf32, #tpu.memory_space<hbm>>
        %dma_start3A_322 = arith.constant 0 : i32
        %dma_start3A_323 = arith.constant 0 : i32
        %dma_start3A_324 = tpu.memref_slice %arg4[%add3A, %add3A_105, %dma_start3A_322, %dma_start3A_323] : memref<32x200x128x64xf32, #tpu.memory_space<hbm>> -> memref<1x1x128x64xf32, #tpu.memory_space<hbm>>
        %dma_start3A_325 = tpu.memref_squeeze %dma_start3A_324 : memref<1x1x128x64xf32, #tpu.memory_space<hbm>> -> memref<128x64xf32, #tpu.memory_space<hbm>>
        %dma_start3A_326 = arith.constant 0 : i32
        %dma_start3A_327 = arith.constant 0 : i32
        %dma_start3A_328 = tpu.memref_slice %arg6[%run_scoped3A, %dma_start3A_326, %dma_start3A_327] : memref<8x128x64xf32, #tpu.memory_space<vmem>> -> memref<1x128x64xf32, #tpu.memory_space<vmem>>
        %dma_start3A_329 = tpu.memref_squeeze %dma_start3A_328 : memref<1x128x64xf32, #tpu.memory_space<vmem>> -> memref<128x64xf32, #tpu.memory_space<vmem>>
        tpu.enqueue_dma source(%dma_start3A_329 : memref<128x64xf32, #tpu.memory_space<vmem>>) target(%dma_start3A_325 : memref<128x64xf32, #tpu.memory_space<hbm>>) target_semaphore(%run_scoped3A_313 : memref<!tpu.dma_semaphore, #tpu.memory_space<semaphore_mem>>)
        %dma_wait3A_330 = arith.constant 0 : i32
        %dma_wait3A_331 = arith.constant 0 : i32
        %dma_wait3A_332 = tpu.memref_slice %arg6[%run_scoped3A, %dma_wait3A_330, %dma_wait3A_331] : memref<8x128x64xf32, #tpu.memory_space<vmem>> -> memref<1x128x64xf32, #tpu.memory_space<vmem>>
        %dma_wait3A_333 = tpu.memref_squeeze %dma_wait3A_332 : memref<1x128x64xf32, #tpu.memory_space<vmem>> -> memref<128x64xf32, #tpu.memory_space<vmem>>
        %dma_wait3A_334 = arith.constant 0 : i32
        %dma_wait3A_335 = arith.constant 0 : i32
        %dma_wait3A_336 = tpu.memref_slice %arg4[%add3A, %add3A_105, %dma_wait3A_334, %dma_wait3A_335] : memref<32x200x128x64xf32, #tpu.memory_space<hbm>> -> memref<1x1x128x64xf32, #tpu.memory_space<hbm>>
        %dma_wait3A_337 = tpu.memref_squeeze %dma_wait3A_336 : memref<1x1x128x64xf32, #tpu.memory_space<hbm>> -> memref<128x64xf32, #tpu.memory_space<hbm>>
        %dma_wait3A_338 = arith.constant 0 : i32
        %dma_wait3A_339 = arith.constant 0 : i32
        %dma_wait3A_340 = tpu.memref_slice %arg4[%add3A, %add3A_105, %dma_wait3A_338, %dma_wait3A_339] : memref<32x200x128x64xf32, #tpu.memory_space<hbm>> -> memref<1x1x128x64xf32, #tpu.memory_space<hbm>>
        %dma_wait3A_341 = tpu.memref_squeeze %dma_wait3A_340 : memref<1x1x128x64xf32, #tpu.memory_space<hbm>> -> memref<128x64xf32, #tpu.memory_space<hbm>>
        %dma_wait3A_342 = arith.constant 0 : i32
        %dma_wait3A_343 = arith.constant 0 : i32
        %dma_wait3A_344 = tpu.memref_slice %arg6[%run_scoped3A, %dma_wait3A_342, %dma_wait3A_343] : memref<8x128x64xf32, #tpu.memory_space<vmem>> -> memref<1x128x64xf32, #tpu.memory_space<vmem>>
        %dma_wait3A_345 = tpu.memref_squeeze %dma_wait3A_344 : memref<1x128x64xf32, #tpu.memory_space<vmem>> -> memref<128x64xf32, #tpu.memory_space<vmem>>
        tpu.wait_dma2 semaphore(%run_scoped3A_313 : memref<!tpu.dma_semaphore, #tpu.memory_space<semaphore_mem>>) src(%dma_wait3A_345 : memref<128x64xf32, #tpu.memory_space<vmem>>) dst(%dma_wait3A_341 : memref<128x64xf32, #tpu.memory_space<hbm>>)
        tpu.yield
      }) : () -> ()
      %add3A_120 = arith.constant 8 : i32
      %add3A_121 = arith.addi %add3A_105, %add3A_120 : i32
      %lt3A = arith.constant 200 : i32
      %lt3A_122 = arith.cmpi slt, %add3A_121, %lt3A : i32
      %convert_element_type3A = arith.extui %lt3A_122 : i1 to i32
      %cond3A = arith.constant 0 : i32
      %cond3A_123 = arith.cmpi ne, %convert_element_type3A, %cond3A : i32
      scf.if %cond3A_123 {
        %dma_start3A_313 = arith.constant 0 : i32
        %dma_start3A_314 = arith.constant 0 : i32
        %dma_start3A_315 = arith.constant 0 : i32
        %dma_start3A_316 = tpu.memref_slice %arg6[%dma_start3A_313, %dma_start3A_314, %dma_start3A_315] : memref<8x128x64xf32, #tpu.memory_space<vmem>> -> memref<1x128x64xf32, #tpu.memory_space<vmem>>
        %dma_start3A_317 = tpu.memref_squeeze %dma_start3A_316 : memref<1x128x64xf32, #tpu.memory_space<vmem>> -> memref<128x64xf32, #tpu.memory_space<vmem>>
        %dma_start3A_318 = arith.constant 0 : i32
        %dma_start3A_319 = tpu.memref_slice %arg5[%add3A_121, %dma_start3A_318] : memref<200x128xi32, #tpu.memory_space<vmem>> -> memref<1x128xi32, #tpu.memory_space<vmem>>
        %dma_start3A_320 = tpu.memref_squeeze %dma_start3A_319 : memref<1x128xi32, #tpu.memory_space<vmem>> -> memref<128xi32, #tpu.memory_space<vmem>>
        %dma_start3A_321 = arith.constant 0 : i32
        %dma_start3A_322 = arith.constant 0 : i32
        %dma_start3A_323 = tpu.memref_slice %arg2[%dma_start3A_321, %dma_start3A_322] : memref<1000000x64xf32, #tpu.memory_space<hbm>> -> memref<1000000x64xf32, #tpu.memory_space<hbm>>
        tpu.enqueue_indirect_dma source(%dma_start3A_323 : memref<1000000x64xf32, #tpu.memory_space<hbm>>) target(%dma_start3A_317 : memref<128x64xf32, #tpu.memory_space<vmem>>) offsets(%dma_start3A_320 : memref<128xi32, #tpu.memory_space<vmem>>) semaphore(%arg7 : memref<!tpu.dma_semaphore, #tpu.memory_space<semaphore_mem>>)
      } else {
      }
      %mul3A_124 = arith.constant 8 : i32
      %mul3A_125 = arith.muli %scan3A_101, %mul3A_124 : i32
      %add3A_126 = arith.constant 1 : i32
      %add3A_127 = arith.addi %mul3A_125, %add3A_126 : i32
      %dma_wait3A_128 = arith.constant 1 : i32
      %dma_wait3A_129 = arith.constant 0 : i32
      %dma_wait3A_130 = arith.constant 0 : i32
      %dma_wait3A_131 = tpu.memref_slice %arg6[%dma_wait3A_128, %dma_wait3A_129, %dma_wait3A_130] : memref<8x128x64xf32, #tpu.memory_space<vmem>> -> memref<1x128x64xf32, #tpu.memory_space<vmem>>
      %dma_wait3A_132 = tpu.memref_squeeze %dma_wait3A_131 : memref<1x128x64xf32, #tpu.memory_space<vmem>> -> memref<128x64xf32, #tpu.memory_space<vmem>>
      %dma_wait3A_133 = arith.constant 0 : i32
      %dma_wait3A_134 = arith.constant 0 : i32
      %dma_wait3A_135 = tpu.memref_slice %arg2[%dma_wait3A_133, %dma_wait3A_134] : memref<1000000x64xf32, #tpu.memory_space<hbm>> -> memref<128x64xf32, #tpu.memory_space<hbm>>
      %dma_wait3A_136 = arith.constant 0 : i32
      %dma_wait3A_137 = arith.constant 0 : i32
      %dma_wait3A_138 = tpu.memref_slice %arg6[%dma_wait3A_128, %dma_wait3A_136, %dma_wait3A_137] : memref<8x128x64xf32, #tpu.memory_space<vmem>> -> memref<1x128x64xf32, #tpu.memory_space<vmem>>
      %dma_wait3A_139 = tpu.memref_squeeze %dma_wait3A_138 : memref<1x128x64xf32, #tpu.memory_space<vmem>> -> memref<128x64xf32, #tpu.memory_space<vmem>>
      %dma_wait3A_140 = arith.constant 0 : i32
      %dma_wait3A_141 = arith.constant 0 : i32
      %dma_wait3A_142 = tpu.memref_slice %arg2[%dma_wait3A_140, %dma_wait3A_141] : memref<1000000x64xf32, #tpu.memory_space<hbm>> -> memref<128x64xf32, #tpu.memory_space<hbm>>
      tpu.wait_dma2 semaphore(%arg8 : memref<!tpu.dma_semaphore, #tpu.memory_space<semaphore_mem>>) src(%dma_wait3A_142 : memref<128x64xf32, #tpu.memory_space<hbm>>) dst(%dma_wait3A_139 : memref<128x64xf32, #tpu.memory_space<vmem>>)
      %run_scoped3A_143 = arith.constant 1 : i32
      "tpu.region"() ({
        %run_scoped3A_313 = tpu.sem_alloc : memref<!tpu.dma_semaphore, #tpu.memory_space<semaphore_mem>>
        %dma_start3A_314 = arith.constant 0 : i32
        %dma_start3A_315 = arith.constant 0 : i32
        %dma_start3A_316 = tpu.memref_slice %arg6[%run_scoped3A_143, %dma_start3A_314, %dma_start3A_315] : memref<8x128x64xf32, #tpu.memory_space<vmem>> -> memref<1x128x64xf32, #tpu.memory_space<vmem>>
        %dma_start3A_317 = tpu.memref_squeeze %dma_start3A_316 : memref<1x128x64xf32, #tpu.memory_space<vmem>> -> memref<128x64xf32, #tpu.memory_space<vmem>>
        %dma_start3A_318 = arith.constant 0 : i32
        %dma_start3A_319 = arith.constant 0 : i32
        %dma_start3A_320 = tpu.memref_slice %arg4[%add3A, %add3A_127, %dma_start3A_318, %dma_start3A_319] : memref<32x200x128x64xf32, #tpu.memory_space<hbm>> -> memref<1x1x128x64xf32, #tpu.memory_space<hbm>>
        %dma_start3A_321 = tpu.memref_squeeze %dma_start3A_320 : memref<1x1x128x64xf32, #tpu.memory_space<hbm>> -> memref<128x64xf32, #tpu.memory_space<hbm>>
        %dma_start3A_322 = arith.constant 0 : i32
        %dma_start3A_323 = arith.constant 0 : i32
        %dma_start3A_324 = tpu.memref_slice %arg4[%add3A, %add3A_127, %dma_start3A_322, %dma_start3A_323] : memref<32x200x128x64xf32, #tpu.memory_space<hbm>> -> memref<1x1x128x64xf32, #tpu.memory_space<hbm>>
        %dma_start3A_325 = tpu.memref_squeeze %dma_start3A_324 : memref<1x1x128x64xf32, #tpu.memory_space<hbm>> -> memref<128x64xf32, #tpu.memory_space<hbm>>
        %dma_start3A_326 = arith.constant 0 : i32
        %dma_start3A_327 = arith.constant 0 : i32
        %dma_start3A_328 = tpu.memref_slice %arg6[%run_scoped3A_143, %dma_start3A_326, %dma_start3A_327] : memref<8x128x64xf32, #tpu.memory_space<vmem>> -> memref<1x128x64xf32, #tpu.memory_space<vmem>>
        %dma_start3A_329 = tpu.memref_squeeze %dma_start3A_328 : memref<1x128x64xf32, #tpu.memory_space<vmem>> -> memref<128x64xf32, #tpu.memory_space<vmem>>
        tpu.enqueue_dma source(%dma_start3A_329 : memref<128x64xf32, #tpu.memory_space<vmem>>) target(%dma_start3A_325 : memref<128x64xf32, #tpu.memory_space<hbm>>) target_semaphore(%run_scoped3A_313 : memref<!tpu.dma_semaphore, #tpu.memory_space<semaphore_mem>>)
        %dma_wait3A_330 = arith.constant 0 : i32
        %dma_wait3A_331 = arith.constant 0 : i32
        %dma_wait3A_332 = tpu.memref_slice %arg6[%run_scoped3A_143, %dma_wait3A_330, %dma_wait3A_331] : memref<8x128x64xf32, #tpu.memory_space<vmem>> -> memref<1x128x64xf32, #tpu.memory_space<vmem>>
        %dma_wait3A_333 = tpu.memref_squeeze %dma_wait3A_332 : memref<1x128x64xf32, #tpu.memory_space<vmem>> -> memref<128x64xf32, #tpu.memory_space<vmem>>
        %dma_wait3A_334 = arith.constant 0 : i32
        %dma_wait3A_335 = arith.constant 0 : i32
        %dma_wait3A_336 = tpu.memref_slice %arg4[%add3A, %add3A_127, %dma_wait3A_334, %dma_wait3A_335] : memref<32x200x128x64xf32, #tpu.memory_space<hbm>> -> memref<1x1x128x64xf32, #tpu.memory_space<hbm>>
        %dma_wait3A_337 = tpu.memref_squeeze %dma_wait3A_336 : memref<1x1x128x64xf32, #tpu.memory_space<hbm>> -> memref<128x64xf32, #tpu.memory_space<hbm>>
        %dma_wait3A_338 = arith.constant 0 : i32
        %dma_wait3A_339 = arith.constant 0 : i32
        %dma_wait3A_340 = tpu.memref_slice %arg4[%add3A, %add3A_127, %dma_wait3A_338, %dma_wait3A_339] : memref<32x200x128x64xf32, #tpu.memory_space<hbm>> -> memref<1x1x128x64xf32, #tpu.memory_space<hbm>>
        %dma_wait3A_341 = tpu.memref_squeeze %dma_wait3A_340 : memref<1x1x128x64xf32, #tpu.memory_space<hbm>> -> memref<128x64xf32, #tpu.memory_space<hbm>>
        %dma_wait3A_342 = arith.constant 0 : i32
        %dma_wait3A_343 = arith.constant 0 : i32
        %dma_wait3A_344 = tpu.memref_slice %arg6[%run_scoped3A_143, %dma_wait3A_342, %dma_wait3A_343] : memref<8x128x64xf32, #tpu.memory_space<vmem>> -> memref<1x128x64xf32, #tpu.memory_space<vmem>>
        %dma_wait3A_345 = tpu.memref_squeeze %dma_wait3A_344 : memref<1x128x64xf32, #tpu.memory_space<vmem>> -> memref<128x64xf32, #tpu.memory_space<vmem>>
        tpu.wait_dma2 semaphore(%run_scoped3A_313 : memref<!tpu.dma_semaphore, #tpu.memory_space<semaphore_mem>>) src(%dma_wait3A_345 : memref<128x64xf32, #tpu.memory_space<vmem>>) dst(%dma_wait3A_341 : memref<128x64xf32, #tpu.memory_space<hbm>>)
        tpu.yield
      }) : () -> ()
      %add3A_144 = arith.constant 8 : i32
      %add3A_145 = arith.addi %add3A_127, %add3A_144 : i32
      %lt3A_146 = arith.constant 200 : i32
      %lt3A_147 = arith.cmpi slt, %add3A_145, %lt3A_146 : i32
      %convert_element_type3A_148 = arith.extui %lt3A_147 : i1 to i32
      %cond3A_149 = arith.constant 0 : i32
      %cond3A_150 = arith.cmpi ne, %convert_element_type3A_148, %cond3A_149 : i32
      scf.if %cond3A_150 {
        %dma_start3A_313 = arith.constant 1 : i32
        %dma_start3A_314 = arith.constant 0 : i32
        %dma_start3A_315 = arith.constant 0 : i32
        %dma_start3A_316 = tpu.memref_slice %arg6[%dma_start3A_313, %dma_start3A_314, %dma_start3A_315] : memref<8x128x64xf32, #tpu.memory_space<vmem>> -> memref<1x128x64xf32, #tpu.memory_space<vmem>>
        %dma_start3A_317 = tpu.memref_squeeze %dma_start3A_316 : memref<1x128x64xf32, #tpu.memory_space<vmem>> -> memref<128x64xf32, #tpu.memory_space<vmem>>
        %dma_start3A_318 = arith.constant 0 : i32
        %dma_start3A_319 = tpu.memref_slice %arg5[%add3A_145, %dma_start3A_318] : memref<200x128xi32, #tpu.memory_space<vmem>> -> memref<1x128xi32, #tpu.memory_space<vmem>>
        %dma_start3A_320 = tpu.memref_squeeze %dma_start3A_319 : memref<1x128xi32, #tpu.memory_space<vmem>> -> memref<128xi32, #tpu.memory_space<vmem>>
        %dma_start3A_321 = arith.constant 0 : i32
        %dma_start3A_322 = arith.constant 0 : i32
        %dma_start3A_323 = tpu.memref_slice %arg2[%dma_start3A_321, %dma_start3A_322] : memref<1000000x64xf32, #tpu.memory_space<hbm>> -> memref<1000000x64xf32, #tpu.memory_space<hbm>>
        tpu.enqueue_indirect_dma source(%dma_start3A_323 : memref<1000000x64xf32, #tpu.memory_space<hbm>>) target(%dma_start3A_317 : memref<128x64xf32, #tpu.memory_space<vmem>>) offsets(%dma_start3A_320 : memref<128xi32, #tpu.memory_space<vmem>>) semaphore(%arg8 : memref<!tpu.dma_semaphore, #tpu.memory_space<semaphore_mem>>)
      } else {
      }
      %mul3A_151 = arith.constant 8 : i32
      %mul3A_152 = arith.muli %scan3A_101, %mul3A_151 : i32
      %add3A_153 = arith.constant 2 : i32
      %add3A_154 = arith.addi %mul3A_152, %add3A_153 : i32
      %dma_wait3A_155 = arith.constant 2 : i32
      %dma_wait3A_156 = arith.constant 0 : i32
      %dma_wait3A_157 = arith.constant 0 : i32
      %dma_wait3A_158 = tpu.memref_slice %arg6[%dma_wait3A_155, %dma_wait3A_156, %dma_wait3A_157] : memref<8x128x64xf32, #tpu.memory_space<vmem>> -> memref<1x128x64xf32, #tpu.memory_space<vmem>>
      %dma_wait3A_159 = tpu.memref_squeeze %dma_wait3A_158 : memref<1x128x64xf32, #tpu.memory_space<vmem>> -> memref<128x64xf32, #tpu.memory_space<vmem>>
      %dma_wait3A_160 = arith.constant 0 : i32
      %dma_wait3A_161 = arith.constant 0 : i32
      %dma_wait3A_162 = tpu.memref_slice %arg2[%dma_wait3A_160, %dma_wait3A_161] : memref<1000000x64xf32, #tpu.memory_space<hbm>> -> memref<128x64xf32, #tpu.memory_space<hbm>>
      %dma_wait3A_163 = arith.constant 0 : i32
      %dma_wait3A_164 = arith.constant 0 : i32
      %dma_wait3A_165 = tpu.memref_slice %arg6[%dma_wait3A_155, %dma_wait3A_163, %dma_wait3A_164] : memref<8x128x64xf32, #tpu.memory_space<vmem>> -> memref<1x128x64xf32, #tpu.memory_space<vmem>>
      %dma_wait3A_166 = tpu.memref_squeeze %dma_wait3A_165 : memref<1x128x64xf32, #tpu.memory_space<vmem>> -> memref<128x64xf32, #tpu.memory_space<vmem>>
      %dma_wait3A_167 = arith.constant 0 : i32
      %dma_wait3A_168 = arith.constant 0 : i32
      %dma_wait3A_169 = tpu.memref_slice %arg2[%dma_wait3A_167, %dma_wait3A_168] : memref<1000000x64xf32, #tpu.memory_space<hbm>> -> memref<128x64xf32, #tpu.memory_space<hbm>>
      tpu.wait_dma2 semaphore(%arg9 : memref<!tpu.dma_semaphore, #tpu.memory_space<semaphore_mem>>) src(%dma_wait3A_169 : memref<128x64xf32, #tpu.memory_space<hbm>>) dst(%dma_wait3A_166 : memref<128x64xf32, #tpu.memory_space<vmem>>)
      %run_scoped3A_170 = arith.constant 2 : i32
      "tpu.region"() ({
        %run_scoped3A_313 = tpu.sem_alloc : memref<!tpu.dma_semaphore, #tpu.memory_space<semaphore_mem>>
        %dma_start3A_314 = arith.constant 0 : i32
        %dma_start3A_315 = arith.constant 0 : i32
        %dma_start3A_316 = tpu.memref_slice %arg6[%run_scoped3A_170, %dma_start3A_314, %dma_start3A_315] : memref<8x128x64xf32, #tpu.memory_space<vmem>> -> memref<1x128x64xf32, #tpu.memory_space<vmem>>
        %dma_start3A_317 = tpu.memref_squeeze %dma_start3A_316 : memref<1x128x64xf32, #tpu.memory_space<vmem>> -> memref<128x64xf32, #tpu.memory_space<vmem>>
        %dma_start3A_318 = arith.constant 0 : i32
        %dma_start3A_319 = arith.constant 0 : i32
        %dma_start3A_320 = tpu.memref_slice %arg4[%add3A, %add3A_154, %dma_start3A_318, %dma_start3A_319] : memref<32x200x128x64xf32, #tpu.memory_space<hbm>> -> memref<1x1x128x64xf32, #tpu.memory_space<hbm>>
        %dma_start3A_321 = tpu.memref_squeeze %dma_start3A_320 : memref<1x1x128x64xf32, #tpu.memory_space<hbm>> -> memref<128x64xf32, #tpu.memory_space<hbm>>
        %dma_start3A_322 = arith.constant 0 : i32
        %dma_start3A_323 = arith.constant 0 : i32
        %dma_start3A_324 = tpu.memref_slice %arg4[%add3A, %add3A_154, %dma_start3A_322, %dma_start3A_323] : memref<32x200x128x64xf32, #tpu.memory_space<hbm>> -> memref<1x1x128x64xf32, #tpu.memory_space<hbm>>
        %dma_start3A_325 = tpu.memref_squeeze %dma_start3A_324 : memref<1x1x128x64xf32, #tpu.memory_space<hbm>> -> memref<128x64xf32, #tpu.memory_space<hbm>>
        %dma_start3A_326 = arith.constant 0 : i32
        %dma_start3A_327 = arith.constant 0 : i32
        %dma_start3A_328 = tpu.memref_slice %arg6[%run_scoped3A_170, %dma_start3A_326, %dma_start3A_327] : memref<8x128x64xf32, #tpu.memory_space<vmem>> -> memref<1x128x64xf32, #tpu.memory_space<vmem>>
        %dma_start3A_329 = tpu.memref_squeeze %dma_start3A_328 : memref<1x128x64xf32, #tpu.memory_space<vmem>> -> memref<128x64xf32, #tpu.memory_space<vmem>>
        tpu.enqueue_dma source(%dma_start3A_329 : memref<128x64xf32, #tpu.memory_space<vmem>>) target(%dma_start3A_325 : memref<128x64xf32, #tpu.memory_space<hbm>>) target_semaphore(%run_scoped3A_313 : memref<!tpu.dma_semaphore, #tpu.memory_space<semaphore_mem>>)
        %dma_wait3A_330 = arith.constant 0 : i32
        %dma_wait3A_331 = arith.constant 0 : i32
        %dma_wait3A_332 = tpu.memref_slice %arg6[%run_scoped3A_170, %dma_wait3A_330, %dma_wait3A_331] : memref<8x128x64xf32, #tpu.memory_space<vmem>> -> memref<1x128x64xf32, #tpu.memory_space<vmem>>
        %dma_wait3A_333 = tpu.memref_squeeze %dma_wait3A_332 : memref<1x128x64xf32, #tpu.memory_space<vmem>> -> memref<128x64xf32, #tpu.memory_space<vmem>>
        %dma_wait3A_334 = arith.constant 0 : i32
        %dma_wait3A_335 = arith.constant 0 : i32
        %dma_wait3A_336 = tpu.memref_slice %arg4[%add3A, %add3A_154, %dma_wait3A_334, %dma_wait3A_335] : memref<32x200x128x64xf32, #tpu.memory_space<hbm>> -> memref<1x1x128x64xf32, #tpu.memory_space<hbm>>
        %dma_wait3A_337 = tpu.memref_squeeze %dma_wait3A_336 : memref<1x1x128x64xf32, #tpu.memory_space<hbm>> -> memref<128x64xf32, #tpu.memory_space<hbm>>
        %dma_wait3A_338 = arith.constant 0 : i32
        %dma_wait3A_339 = arith.constant 0 : i32
        %dma_wait3A_340 = tpu.memref_slice %arg4[%add3A, %add3A_154, %dma_wait3A_338, %dma_wait3A_339] : memref<32x200x128x64xf32, #tpu.memory_space<hbm>> -> memref<1x1x128x64xf32, #tpu.memory_space<hbm>>
        %dma_wait3A_341 = tpu.memref_squeeze %dma_wait3A_340 : memref<1x1x128x64xf32, #tpu.memory_space<hbm>> -> memref<128x64xf32, #tpu.memory_space<hbm>>
        %dma_wait3A_342 = arith.constant 0 : i32
        %dma_wait3A_343 = arith.constant 0 : i32
        %dma_wait3A_344 = tpu.memref_slice %arg6[%run_scoped3A_170, %dma_wait3A_342, %dma_wait3A_343] : memref<8x128x64xf32, #tpu.memory_space<vmem>> -> memref<1x128x64xf32, #tpu.memory_space<vmem>>
        %dma_wait3A_345 = tpu.memref_squeeze %dma_wait3A_344 : memref<1x128x64xf32, #tpu.memory_space<vmem>> -> memref<128x64xf32, #tpu.memory_space<vmem>>
        tpu.wait_dma2 semaphore(%run_scoped3A_313 : memref<!tpu.dma_semaphore, #tpu.memory_space<semaphore_mem>>) src(%dma_wait3A_345 : memref<128x64xf32, #tpu.memory_space<vmem>>) dst(%dma_wait3A_341 : memref<128x64xf32, #tpu.memory_space<hbm>>)
        tpu.yield
      }) : () -> ()
      %add3A_171 = arith.constant 8 : i32
      %add3A_172 = arith.addi %add3A_154, %add3A_171 : i32
      %lt3A_173 = arith.constant 200 : i32
      %lt3A_174 = arith.cmpi slt, %add3A_172, %lt3A_173 : i32
      %convert_element_type3A_175 = arith.extui %lt3A_174 : i1 to i32
      %cond3A_176 = arith.constant 0 : i32
      %cond3A_177 = arith.cmpi ne, %convert_element_type3A_175, %cond3A_176 : i32
      scf.if %cond3A_177 {
        %dma_start3A_313 = arith.constant 2 : i32
        %dma_start3A_314 = arith.constant 0 : i32
        %dma_start3A_315 = arith.constant 0 : i32
        %dma_start3A_316 = tpu.memref_slice %arg6[%dma_start3A_313, %dma_start3A_314, %dma_start3A_315] : memref<8x128x64xf32, #tpu.memory_space<vmem>> -> memref<1x128x64xf32, #tpu.memory_space<vmem>>
        %dma_start3A_317 = tpu.memref_squeeze %dma_start3A_316 : memref<1x128x64xf32, #tpu.memory_space<vmem>> -> memref<128x64xf32, #tpu.memory_space<vmem>>
        %dma_start3A_318 = arith.constant 0 : i32
        %dma_start3A_319 = tpu.memref_slice %arg5[%add3A_172, %dma_start3A_318] : memref<200x128xi32, #tpu.memory_space<vmem>> -> memref<1x128xi32, #tpu.memory_space<vmem>>
        %dma_start3A_320 = tpu.memref_squeeze %dma_start3A_319 : memref<1x128xi32, #tpu.memory_space<vmem>> -> memref<128xi32, #tpu.memory_space<vmem>>
        %dma_start3A_321 = arith.constant 0 : i32
        %dma_start3A_322 = arith.constant 0 : i32
        %dma_start3A_323 = tpu.memref_slice %arg2[%dma_start3A_321, %dma_start3A_322] : memref<1000000x64xf32, #tpu.memory_space<hbm>> -> memref<1000000x64xf32, #tpu.memory_space<hbm>>
        tpu.enqueue_indirect_dma source(%dma_start3A_323 : memref<1000000x64xf32, #tpu.memory_space<hbm>>) target(%dma_start3A_317 : memref<128x64xf32, #tpu.memory_space<vmem>>) offsets(%dma_start3A_320 : memref<128xi32, #tpu.memory_space<vmem>>) semaphore(%arg9 : memref<!tpu.dma_semaphore, #tpu.memory_space<semaphore_mem>>)
      } else {
      }
      %mul3A_178 = arith.constant 8 : i32
      %mul3A_179 = arith.muli %scan3A_101, %mul3A_178 : i32
      %add3A_180 = arith.constant 3 : i32
      %add3A_181 = arith.addi %mul3A_179, %add3A_180 : i32
      %dma_wait3A_182 = arith.constant 3 : i32
      %dma_wait3A_183 = arith.constant 0 : i32
      %dma_wait3A_184 = arith.constant 0 : i32
      %dma_wait3A_185 = tpu.memref_slice %arg6[%dma_wait3A_182, %dma_wait3A_183, %dma_wait3A_184] : memref<8x128x64xf32, #tpu.memory_space<vmem>> -> memref<1x128x64xf32, #tpu.memory_space<vmem>>
      %dma_wait3A_186 = tpu.memref_squeeze %dma_wait3A_185 : memref<1x128x64xf32, #tpu.memory_space<vmem>> -> memref<128x64xf32, #tpu.memory_space<vmem>>
      %dma_wait3A_187 = arith.constant 0 : i32
      %dma_wait3A_188 = arith.constant 0 : i32
      %dma_wait3A_189 = tpu.memref_slice %arg2[%dma_wait3A_187, %dma_wait3A_188] : memref<1000000x64xf32, #tpu.memory_space<hbm>> -> memref<128x64xf32, #tpu.memory_space<hbm>>
      %dma_wait3A_190 = arith.constant 0 : i32
      %dma_wait3A_191 = arith.constant 0 : i32
      %dma_wait3A_192 = tpu.memref_slice %arg6[%dma_wait3A_182, %dma_wait3A_190, %dma_wait3A_191] : memref<8x128x64xf32, #tpu.memory_space<vmem>> -> memref<1x128x64xf32, #tpu.memory_space<vmem>>
      %dma_wait3A_193 = tpu.memref_squeeze %dma_wait3A_192 : memref<1x128x64xf32, #tpu.memory_space<vmem>> -> memref<128x64xf32, #tpu.memory_space<vmem>>
      %dma_wait3A_194 = arith.constant 0 : i32
      %dma_wait3A_195 = arith.constant 0 : i32
      %dma_wait3A_196 = tpu.memref_slice %arg2[%dma_wait3A_194, %dma_wait3A_195] : memref<1000000x64xf32, #tpu.memory_space<hbm>> -> memref<128x64xf32, #tpu.memory_space<hbm>>
      tpu.wait_dma2 semaphore(%arg10 : memref<!tpu.dma_semaphore, #tpu.memory_space<semaphore_mem>>) src(%dma_wait3A_196 : memref<128x64xf32, #tpu.memory_space<hbm>>) dst(%dma_wait3A_193 : memref<128x64xf32, #tpu.memory_space<vmem>>)
      %run_scoped3A_197 = arith.constant 3 : i32
      "tpu.region"() ({
        %run_scoped3A_313 = tpu.sem_alloc : memref<!tpu.dma_semaphore, #tpu.memory_space<semaphore_mem>>
        %dma_start3A_314 = arith.constant 0 : i32
        %dma_start3A_315 = arith.constant 0 : i32
        %dma_start3A_316 = tpu.memref_slice %arg6[%run_scoped3A_197, %dma_start3A_314, %dma_start3A_315] : memref<8x128x64xf32, #tpu.memory_space<vmem>> -> memref<1x128x64xf32, #tpu.memory_space<vmem>>
        %dma_start3A_317 = tpu.memref_squeeze %dma_start3A_316 : memref<1x128x64xf32, #tpu.memory_space<vmem>> -> memref<128x64xf32, #tpu.memory_space<vmem>>
        %dma_start3A_318 = arith.constant 0 : i32
        %dma_start3A_319 = arith.constant 0 : i32
        %dma_start3A_320 = tpu.memref_slice %arg4[%add3A, %add3A_181, %dma_start3A_318, %dma_start3A_319] : memref<32x200x128x64xf32, #tpu.memory_space<hbm>> -> memref<1x1x128x64xf32, #tpu.memory_space<hbm>>
        %dma_start3A_321 = tpu.memref_squeeze %dma_start3A_320 : memref<1x1x128x64xf32, #tpu.memory_space<hbm>> -> memref<128x64xf32, #tpu.memory_space<hbm>>
        %dma_start3A_322 = arith.constant 0 : i32
        %dma_start3A_323 = arith.constant 0 : i32
        %dma_start3A_324 = tpu.memref_slice %arg4[%add3A, %add3A_181, %dma_start3A_322, %dma_start3A_323] : memref<32x200x128x64xf32, #tpu.memory_space<hbm>> -> memref<1x1x128x64xf32, #tpu.memory_space<hbm>>
        %dma_start3A_325 = tpu.memref_squeeze %dma_start3A_324 : memref<1x1x128x64xf32, #tpu.memory_space<hbm>> -> memref<128x64xf32, #tpu.memory_space<hbm>>
        %dma_start3A_326 = arith.constant 0 : i32
        %dma_start3A_327 = arith.constant 0 : i32
        %dma_start3A_328 = tpu.memref_slice %arg6[%run_scoped3A_197, %dma_start3A_326, %dma_start3A_327] : memref<8x128x64xf32, #tpu.memory_space<vmem>> -> memref<1x128x64xf32, #tpu.memory_space<vmem>>
        %dma_start3A_329 = tpu.memref_squeeze %dma_start3A_328 : memref<1x128x64xf32, #tpu.memory_space<vmem>> -> memref<128x64xf32, #tpu.memory_space<vmem>>
        tpu.enqueue_dma source(%dma_start3A_329 : memref<128x64xf32, #tpu.memory_space<vmem>>) target(%dma_start3A_325 : memref<128x64xf32, #tpu.memory_space<hbm>>) target_semaphore(%run_scoped3A_313 : memref<!tpu.dma_semaphore, #tpu.memory_space<semaphore_mem>>)
        %dma_wait3A_330 = arith.constant 0 : i32
        %dma_wait3A_331 = arith.constant 0 : i32
        %dma_wait3A_332 = tpu.memref_slice %arg6[%run_scoped3A_197, %dma_wait3A_330, %dma_wait3A_331] : memref<8x128x64xf32, #tpu.memory_space<vmem>> -> memref<1x128x64xf32, #tpu.memory_space<vmem>>
        %dma_wait3A_333 = tpu.memref_squeeze %dma_wait3A_332 : memref<1x128x64xf32, #tpu.memory_space<vmem>> -> memref<128x64xf32, #tpu.memory_space<vmem>>
        %dma_wait3A_334 = arith.constant 0 : i32
        %dma_wait3A_335 = arith.constant 0 : i32
        %dma_wait3A_336 = tpu.memref_slice %arg4[%add3A, %add3A_181, %dma_wait3A_334, %dma_wait3A_335] : memref<32x200x128x64xf32, #tpu.memory_space<hbm>> -> memref<1x1x128x64xf32, #tpu.memory_space<hbm>>
        %dma_wait3A_337 = tpu.memref_squeeze %dma_wait3A_336 : memref<1x1x128x64xf32, #tpu.memory_space<hbm>> -> memref<128x64xf32, #tpu.memory_space<hbm>>
        %dma_wait3A_338 = arith.constant 0 : i32
        %dma_wait3A_339 = arith.constant 0 : i32
        %dma_wait3A_340 = tpu.memref_slice %arg4[%add3A, %add3A_181, %dma_wait3A_338, %dma_wait3A_339] : memref<32x200x128x64xf32, #tpu.memory_space<hbm>> -> memref<1x1x128x64xf32, #tpu.memory_space<hbm>>
        %dma_wait3A_341 = tpu.memref_squeeze %dma_wait3A_340 : memref<1x1x128x64xf32, #tpu.memory_space<hbm>> -> memref<128x64xf32, #tpu.memory_space<hbm>>
        %dma_wait3A_342 = arith.constant 0 : i32
        %dma_wait3A_343 = arith.constant 0 : i32
        %dma_wait3A_344 = tpu.memref_slice %arg6[%run_scoped3A_197, %dma_wait3A_342, %dma_wait3A_343] : memref<8x128x64xf32, #tpu.memory_space<vmem>> -> memref<1x128x64xf32, #tpu.memory_space<vmem>>
        %dma_wait3A_345 = tpu.memref_squeeze %dma_wait3A_344 : memref<1x128x64xf32, #tpu.memory_space<vmem>> -> memref<128x64xf32, #tpu.memory_space<vmem>>
        tpu.wait_dma2 semaphore(%run_scoped3A_313 : memref<!tpu.dma_semaphore, #tpu.memory_space<semaphore_mem>>) src(%dma_wait3A_345 : memref<128x64xf32, #tpu.memory_space<vmem>>) dst(%dma_wait3A_341 : memref<128x64xf32, #tpu.memory_space<hbm>>)
        tpu.yield
      }) : () -> ()
      %add3A_198 = arith.constant 8 : i32
      %add3A_199 = arith.addi %add3A_181, %add3A_198 : i32
      %lt3A_200 = arith.constant 200 : i32
      %lt3A_201 = arith.cmpi slt, %add3A_199, %lt3A_200 : i32
      %convert_element_type3A_202 = arith.extui %lt3A_201 : i1 to i32
      %cond3A_203 = arith.constant 0 : i32
      %cond3A_204 = arith.cmpi ne, %convert_element_type3A_202, %cond3A_203 : i32
      scf.if %cond3A_204 {
        %dma_start3A_313 = arith.constant 3 : i32
        %dma_start3A_314 = arith.constant 0 : i32
        %dma_start3A_315 = arith.constant 0 : i32
        %dma_start3A_316 = tpu.memref_slice %arg6[%dma_start3A_313, %dma_start3A_314, %dma_start3A_315] : memref<8x128x64xf32, #tpu.memory_space<vmem>> -> memref<1x128x64xf32, #tpu.memory_space<vmem>>
        %dma_start3A_317 = tpu.memref_squeeze %dma_start3A_316 : memref<1x128x64xf32, #tpu.memory_space<vmem>> -> memref<128x64xf32, #tpu.memory_space<vmem>>
        %dma_start3A_318 = arith.constant 0 : i32
        %dma_start3A_319 = tpu.memref_slice %arg5[%add3A_199, %dma_start3A_318] : memref<200x128xi32, #tpu.memory_space<vmem>> -> memref<1x128xi32, #tpu.memory_space<vmem>>
        %dma_start3A_320 = tpu.memref_squeeze %dma_start3A_319 : memref<1x128xi32, #tpu.memory_space<vmem>> -> memref<128xi32, #tpu.memory_space<vmem>>
        %dma_start3A_321 = arith.constant 0 : i32
        %dma_start3A_322 = arith.constant 0 : i32
        %dma_start3A_323 = tpu.memref_slice %arg2[%dma_start3A_321, %dma_start3A_322] : memref<1000000x64xf32, #tpu.memory_space<hbm>> -> memref<1000000x64xf32, #tpu.memory_space<hbm>>
        tpu.enqueue_indirect_dma source(%dma_start3A_323 : memref<1000000x64xf32, #tpu.memory_space<hbm>>) target(%dma_start3A_317 : memref<128x64xf32, #tpu.memory_space<vmem>>) offsets(%dma_start3A_320 : memref<128xi32, #tpu.memory_space<vmem>>) semaphore(%arg10 : memref<!tpu.dma_semaphore, #tpu.memory_space<semaphore_mem>>)
      } else {
      }
      %mul3A_205 = arith.constant 8 : i32
      %mul3A_206 = arith.muli %scan3A_101, %mul3A_205 : i32
      %add3A_207 = arith.constant 4 : i32
      %add3A_208 = arith.addi %mul3A_206, %add3A_207 : i32
      %dma_wait3A_209 = arith.constant 4 : i32
      %dma_wait3A_210 = arith.constant 0 : i32
      %dma_wait3A_211 = arith.constant 0 : i32
      %dma_wait3A_212 = tpu.memref_slice %arg6[%dma_wait3A_209, %dma_wait3A_210, %dma_wait3A_211] : memref<8x128x64xf32, #tpu.memory_space<vmem>> -> memref<1x128x64xf32, #tpu.memory_space<vmem>>
      %dma_wait3A_213 = tpu.memref_squeeze %dma_wait3A_212 : memref<1x128x64xf32, #tpu.memory_space<vmem>> -> memref<128x64xf32, #tpu.memory_space<vmem>>
      %dma_wait3A_214 = arith.constant 0 : i32
      %dma_wait3A_215 = arith.constant 0 : i32
      %dma_wait3A_216 = tpu.memref_slice %arg2[%dma_wait3A_214, %dma_wait3A_215] : memref<1000000x64xf32, #tpu.memory_space<hbm>> -> memref<128x64xf32, #tpu.memory_space<hbm>>
      %dma_wait3A_217 = arith.constant 0 : i32
      %dma_wait3A_218 = arith.constant 0 : i32
      %dma_wait3A_219 = tpu.memref_slice %arg6[%dma_wait3A_209, %dma_wait3A_217, %dma_wait3A_218] : memref<8x128x64xf32, #tpu.memory_space<vmem>> -> memref<1x128x64xf32, #tpu.memory_space<vmem>>
      %dma_wait3A_220 = tpu.memref_squeeze %dma_wait3A_219 : memref<1x128x64xf32, #tpu.memory_space<vmem>> -> memref<128x64xf32, #tpu.memory_space<vmem>>
      %dma_wait3A_221 = arith.constant 0 : i32
      %dma_wait3A_222 = arith.constant 0 : i32
      %dma_wait3A_223 = tpu.memref_slice %arg2[%dma_wait3A_221, %dma_wait3A_222] : memref<1000000x64xf32, #tpu.memory_space<hbm>> -> memref<128x64xf32, #tpu.memory_space<hbm>>
      tpu.wait_dma2 semaphore(%arg11 : memref<!tpu.dma_semaphore, #tpu.memory_space<semaphore_mem>>) src(%dma_wait3A_223 : memref<128x64xf32, #tpu.memory_space<hbm>>) dst(%dma_wait3A_220 : memref<128x64xf32, #tpu.memory_space<vmem>>)
      %run_scoped3A_224 = arith.constant 4 : i32
      "tpu.region"() ({
        %run_scoped3A_313 = tpu.sem_alloc : memref<!tpu.dma_semaphore, #tpu.memory_space<semaphore_mem>>
        %dma_start3A_314 = arith.constant 0 : i32
        %dma_start3A_315 = arith.constant 0 : i32
        %dma_start3A_316 = tpu.memref_slice %arg6[%run_scoped3A_224, %dma_start3A_314, %dma_start3A_315] : memref<8x128x64xf32, #tpu.memory_space<vmem>> -> memref<1x128x64xf32, #tpu.memory_space<vmem>>
        %dma_start3A_317 = tpu.memref_squeeze %dma_start3A_316 : memref<1x128x64xf32, #tpu.memory_space<vmem>> -> memref<128x64xf32, #tpu.memory_space<vmem>>
        %dma_start3A_318 = arith.constant 0 : i32
        %dma_start3A_319 = arith.constant 0 : i32
        %dma_start3A_320 = tpu.memref_slice %arg4[%add3A, %add3A_208, %dma_start3A_318, %dma_start3A_319] : memref<32x200x128x64xf32, #tpu.memory_space<hbm>> -> memref<1x1x128x64xf32, #tpu.memory_space<hbm>>
        %dma_start3A_321 = tpu.memref_squeeze %dma_start3A_320 : memref<1x1x128x64xf32, #tpu.memory_space<hbm>> -> memref<128x64xf32, #tpu.memory_space<hbm>>
        %dma_start3A_322 = arith.constant 0 : i32
        %dma_start3A_323 = arith.constant 0 : i32
        %dma_start3A_324 = tpu.memref_slice %arg4[%add3A, %add3A_208, %dma_start3A_322, %dma_start3A_323] : memref<32x200x128x64xf32, #tpu.memory_space<hbm>> -> memref<1x1x128x64xf32, #tpu.memory_space<hbm>>
        %dma_start3A_325 = tpu.memref_squeeze %dma_start3A_324 : memref<1x1x128x64xf32, #tpu.memory_space<hbm>> -> memref<128x64xf32, #tpu.memory_space<hbm>>
        %dma_start3A_326 = arith.constant 0 : i32
        %dma_start3A_327 = arith.constant 0 : i32
        %dma_start3A_328 = tpu.memref_slice %arg6[%run_scoped3A_224, %dma_start3A_326, %dma_start3A_327] : memref<8x128x64xf32, #tpu.memory_space<vmem>> -> memref<1x128x64xf32, #tpu.memory_space<vmem>>
        %dma_start3A_329 = tpu.memref_squeeze %dma_start3A_328 : memref<1x128x64xf32, #tpu.memory_space<vmem>> -> memref<128x64xf32, #tpu.memory_space<vmem>>
        tpu.enqueue_dma source(%dma_start3A_329 : memref<128x64xf32, #tpu.memory_space<vmem>>) target(%dma_start3A_325 : memref<128x64xf32, #tpu.memory_space<hbm>>) target_semaphore(%run_scoped3A_313 : memref<!tpu.dma_semaphore, #tpu.memory_space<semaphore_mem>>)
        %dma_wait3A_330 = arith.constant 0 : i32
        %dma_wait3A_331 = arith.constant 0 : i32
        %dma_wait3A_332 = tpu.memref_slice %arg6[%run_scoped3A_224, %dma_wait3A_330, %dma_wait3A_331] : memref<8x128x64xf32, #tpu.memory_space<vmem>> -> memref<1x128x64xf32, #tpu.memory_space<vmem>>
        %dma_wait3A_333 = tpu.memref_squeeze %dma_wait3A_332 : memref<1x128x64xf32, #tpu.memory_space<vmem>> -> memref<128x64xf32, #tpu.memory_space<vmem>>
        %dma_wait3A_334 = arith.constant 0 : i32
        %dma_wait3A_335 = arith.constant 0 : i32
        %dma_wait3A_336 = tpu.memref_slice %arg4[%add3A, %add3A_208, %dma_wait3A_334, %dma_wait3A_335] : memref<32x200x128x64xf32, #tpu.memory_space<hbm>> -> memref<1x1x128x64xf32, #tpu.memory_space<hbm>>
        %dma_wait3A_337 = tpu.memref_squeeze %dma_wait3A_336 : memref<1x1x128x64xf32, #tpu.memory_space<hbm>> -> memref<128x64xf32, #tpu.memory_space<hbm>>
        %dma_wait3A_338 = arith.constant 0 : i32
        %dma_wait3A_339 = arith.constant 0 : i32
        %dma_wait3A_340 = tpu.memref_slice %arg4[%add3A, %add3A_208, %dma_wait3A_338, %dma_wait3A_339] : memref<32x200x128x64xf32, #tpu.memory_space<hbm>> -> memref<1x1x128x64xf32, #tpu.memory_space<hbm>>
        %dma_wait3A_341 = tpu.memref_squeeze %dma_wait3A_340 : memref<1x1x128x64xf32, #tpu.memory_space<hbm>> -> memref<128x64xf32, #tpu.memory_space<hbm>>
        %dma_wait3A_342 = arith.constant 0 : i32
        %dma_wait3A_343 = arith.constant 0 : i32
        %dma_wait3A_344 = tpu.memref_slice %arg6[%run_scoped3A_224, %dma_wait3A_342, %dma_wait3A_343] : memref<8x128x64xf32, #tpu.memory_space<vmem>> -> memref<1x128x64xf32, #tpu.memory_space<vmem>>
        %dma_wait3A_345 = tpu.memref_squeeze %dma_wait3A_344 : memref<1x128x64xf32, #tpu.memory_space<vmem>> -> memref<128x64xf32, #tpu.memory_space<vmem>>
        tpu.wait_dma2 semaphore(%run_scoped3A_313 : memref<!tpu.dma_semaphore, #tpu.memory_space<semaphore_mem>>) src(%dma_wait3A_345 : memref<128x64xf32, #tpu.memory_space<vmem>>) dst(%dma_wait3A_341 : memref<128x64xf32, #tpu.memory_space<hbm>>)
        tpu.yield
      }) : () -> ()
      %add3A_225 = arith.constant 8 : i32
      %add3A_226 = arith.addi %add3A_208, %add3A_225 : i32
      %lt3A_227 = arith.constant 200 : i32
      %lt3A_228 = arith.cmpi slt, %add3A_226, %lt3A_227 : i32
      %convert_element_type3A_229 = arith.extui %lt3A_228 : i1 to i32
      %cond3A_230 = arith.constant 0 : i32
      %cond3A_231 = arith.cmpi ne, %convert_element_type3A_229, %cond3A_230 : i32
      scf.if %cond3A_231 {
        %dma_start3A_313 = arith.constant 4 : i32
        %dma_start3A_314 = arith.constant 0 : i32
        %dma_start3A_315 = arith.constant 0 : i32
        %dma_start3A_316 = tpu.memref_slice %arg6[%dma_start3A_313, %dma_start3A_314, %dma_start3A_315] : memref<8x128x64xf32, #tpu.memory_space<vmem>> -> memref<1x128x64xf32, #tpu.memory_space<vmem>>
        %dma_start3A_317 = tpu.memref_squeeze %dma_start3A_316 : memref<1x128x64xf32, #tpu.memory_space<vmem>> -> memref<128x64xf32, #tpu.memory_space<vmem>>
        %dma_start3A_318 = arith.constant 0 : i32
        %dma_start3A_319 = tpu.memref_slice %arg5[%add3A_226, %dma_start3A_318] : memref<200x128xi32, #tpu.memory_space<vmem>> -> memref<1x128xi32, #tpu.memory_space<vmem>>
        %dma_start3A_320 = tpu.memref_squeeze %dma_start3A_319 : memref<1x128xi32, #tpu.memory_space<vmem>> -> memref<128xi32, #tpu.memory_space<vmem>>
        %dma_start3A_321 = arith.constant 0 : i32
        %dma_start3A_322 = arith.constant 0 : i32
        %dma_start3A_323 = tpu.memref_slice %arg2[%dma_start3A_321, %dma_start3A_322] : memref<1000000x64xf32, #tpu.memory_space<hbm>> -> memref<1000000x64xf32, #tpu.memory_space<hbm>>
        tpu.enqueue_indirect_dma source(%dma_start3A_323 : memref<1000000x64xf32, #tpu.memory_space<hbm>>) target(%dma_start3A_317 : memref<128x64xf32, #tpu.memory_space<vmem>>) offsets(%dma_start3A_320 : memref<128xi32, #tpu.memory_space<vmem>>) semaphore(%arg11 : memref<!tpu.dma_semaphore, #tpu.memory_space<semaphore_mem>>)
      } else {
      }
      %mul3A_232 = arith.constant 8 : i32
      %mul3A_233 = arith.muli %scan3A_101, %mul3A_232 : i32
      %add3A_234 = arith.constant 5 : i32
      %add3A_235 = arith.addi %mul3A_233, %add3A_234 : i32
      %dma_wait3A_236 = arith.constant 5 : i32
      %dma_wait3A_237 = arith.constant 0 : i32
      %dma_wait3A_238 = arith.constant 0 : i32
      %dma_wait3A_239 = tpu.memref_slice %arg6[%dma_wait3A_236, %dma_wait3A_237, %dma_wait3A_238] : memref<8x128x64xf32, #tpu.memory_space<vmem>> -> memref<1x128x64xf32, #tpu.memory_space<vmem>>
      %dma_wait3A_240 = tpu.memref_squeeze %dma_wait3A_239 : memref<1x128x64xf32, #tpu.memory_space<vmem>> -> memref<128x64xf32, #tpu.memory_space<vmem>>
      %dma_wait3A_241 = arith.constant 0 : i32
      %dma_wait3A_242 = arith.constant 0 : i32
      %dma_wait3A_243 = tpu.memref_slice %arg2[%dma_wait3A_241, %dma_wait3A_242] : memref<1000000x64xf32, #tpu.memory_space<hbm>> -> memref<128x64xf32, #tpu.memory_space<hbm>>
      %dma_wait3A_244 = arith.constant 0 : i32
      %dma_wait3A_245 = arith.constant 0 : i32
      %dma_wait3A_246 = tpu.memref_slice %arg6[%dma_wait3A_236, %dma_wait3A_244, %dma_wait3A_245] : memref<8x128x64xf32, #tpu.memory_space<vmem>> -> memref<1x128x64xf32, #tpu.memory_space<vmem>>
      %dma_wait3A_247 = tpu.memref_squeeze %dma_wait3A_246 : memref<1x128x64xf32, #tpu.memory_space<vmem>> -> memref<128x64xf32, #tpu.memory_space<vmem>>
      %dma_wait3A_248 = arith.constant 0 : i32
      %dma_wait3A_249 = arith.constant 0 : i32
      %dma_wait3A_250 = tpu.memref_slice %arg2[%dma_wait3A_248, %dma_wait3A_249] : memref<1000000x64xf32, #tpu.memory_space<hbm>> -> memref<128x64xf32, #tpu.memory_space<hbm>>
      tpu.wait_dma2 semaphore(%arg12 : memref<!tpu.dma_semaphore, #tpu.memory_space<semaphore_mem>>) src(%dma_wait3A_250 : memref<128x64xf32, #tpu.memory_space<hbm>>) dst(%dma_wait3A_247 : memref<128x64xf32, #tpu.memory_space<vmem>>)
      %run_scoped3A_251 = arith.constant 5 : i32
      "tpu.region"() ({
        %run_scoped3A_313 = tpu.sem_alloc : memref<!tpu.dma_semaphore, #tpu.memory_space<semaphore_mem>>
        %dma_start3A_314 = arith.constant 0 : i32
        %dma_start3A_315 = arith.constant 0 : i32
        %dma_start3A_316 = tpu.memref_slice %arg6[%run_scoped3A_251, %dma_start3A_314, %dma_start3A_315] : memref<8x128x64xf32, #tpu.memory_space<vmem>> -> memref<1x128x64xf32, #tpu.memory_space<vmem>>
        %dma_start3A_317 = tpu.memref_squeeze %dma_start3A_316 : memref<1x128x64xf32, #tpu.memory_space<vmem>> -> memref<128x64xf32, #tpu.memory_space<vmem>>
        %dma_start3A_318 = arith.constant 0 : i32
        %dma_start3A_319 = arith.constant 0 : i32
        %dma_start3A_320 = tpu.memref_slice %arg4[%add3A, %add3A_235, %dma_start3A_318, %dma_start3A_319] : memref<32x200x128x64xf32, #tpu.memory_space<hbm>> -> memref<1x1x128x64xf32, #tpu.memory_space<hbm>>
        %dma_start3A_321 = tpu.memref_squeeze %dma_start3A_320 : memref<1x1x128x64xf32, #tpu.memory_space<hbm>> -> memref<128x64xf32, #tpu.memory_space<hbm>>
        %dma_start3A_322 = arith.constant 0 : i32
        %dma_start3A_323 = arith.constant 0 : i32
        %dma_start3A_324 = tpu.memref_slice %arg4[%add3A, %add3A_235, %dma_start3A_322, %dma_start3A_323] : memref<32x200x128x64xf32, #tpu.memory_space<hbm>> -> memref<1x1x128x64xf32, #tpu.memory_space<hbm>>
        %dma_start3A_325 = tpu.memref_squeeze %dma_start3A_324 : memref<1x1x128x64xf32, #tpu.memory_space<hbm>> -> memref<128x64xf32, #tpu.memory_space<hbm>>
        %dma_start3A_326 = arith.constant 0 : i32
        %dma_start3A_327 = arith.constant 0 : i32
        %dma_start3A_328 = tpu.memref_slice %arg6[%run_scoped3A_251, %dma_start3A_326, %dma_start3A_327] : memref<8x128x64xf32, #tpu.memory_space<vmem>> -> memref<1x128x64xf32, #tpu.memory_space<vmem>>
        %dma_start3A_329 = tpu.memref_squeeze %dma_start3A_328 : memref<1x128x64xf32, #tpu.memory_space<vmem>> -> memref<128x64xf32, #tpu.memory_space<vmem>>
        tpu.enqueue_dma source(%dma_start3A_329 : memref<128x64xf32, #tpu.memory_space<vmem>>) target(%dma_start3A_325 : memref<128x64xf32, #tpu.memory_space<hbm>>) target_semaphore(%run_scoped3A_313 : memref<!tpu.dma_semaphore, #tpu.memory_space<semaphore_mem>>)
        %dma_wait3A_330 = arith.constant 0 : i32
        %dma_wait3A_331 = arith.constant 0 : i32
        %dma_wait3A_332 = tpu.memref_slice %arg6[%run_scoped3A_251, %dma_wait3A_330, %dma_wait3A_331] : memref<8x128x64xf32, #tpu.memory_space<vmem>> -> memref<1x128x64xf32, #tpu.memory_space<vmem>>
        %dma_wait3A_333 = tpu.memref_squeeze %dma_wait3A_332 : memref<1x128x64xf32, #tpu.memory_space<vmem>> -> memref<128x64xf32, #tpu.memory_space<vmem>>
        %dma_wait3A_334 = arith.constant 0 : i32
        %dma_wait3A_335 = arith.constant 0 : i32
        %dma_wait3A_336 = tpu.memref_slice %arg4[%add3A, %add3A_235, %dma_wait3A_334, %dma_wait3A_335] : memref<32x200x128x64xf32, #tpu.memory_space<hbm>> -> memref<1x1x128x64xf32, #tpu.memory_space<hbm>>
        %dma_wait3A_337 = tpu.memref_squeeze %dma_wait3A_336 : memref<1x1x128x64xf32, #tpu.memory_space<hbm>> -> memref<128x64xf32, #tpu.memory_space<hbm>>
        %dma_wait3A_338 = arith.constant 0 : i32
        %dma_wait3A_339 = arith.constant 0 : i32
        %dma_wait3A_340 = tpu.memref_slice %arg4[%add3A, %add3A_235, %dma_wait3A_338, %dma_wait3A_339] : memref<32x200x128x64xf32, #tpu.memory_space<hbm>> -> memref<1x1x128x64xf32, #tpu.memory_space<hbm>>
        %dma_wait3A_341 = tpu.memref_squeeze %dma_wait3A_340 : memref<1x1x128x64xf32, #tpu.memory_space<hbm>> -> memref<128x64xf32, #tpu.memory_space<hbm>>
        %dma_wait3A_342 = arith.constant 0 : i32
        %dma_wait3A_343 = arith.constant 0 : i32
        %dma_wait3A_344 = tpu.memref_slice %arg6[%run_scoped3A_251, %dma_wait3A_342, %dma_wait3A_343] : memref<8x128x64xf32, #tpu.memory_space<vmem>> -> memref<1x128x64xf32, #tpu.memory_space<vmem>>
        %dma_wait3A_345 = tpu.memref_squeeze %dma_wait3A_344 : memref<1x128x64xf32, #tpu.memory_space<vmem>> -> memref<128x64xf32, #tpu.memory_space<vmem>>
        tpu.wait_dma2 semaphore(%run_scoped3A_313 : memref<!tpu.dma_semaphore, #tpu.memory_space<semaphore_mem>>) src(%dma_wait3A_345 : memref<128x64xf32, #tpu.memory_space<vmem>>) dst(%dma_wait3A_341 : memref<128x64xf32, #tpu.memory_space<hbm>>)
        tpu.yield
      }) : () -> ()
      %add3A_252 = arith.constant 8 : i32
      %add3A_253 = arith.addi %add3A_235, %add3A_252 : i32
      %lt3A_254 = arith.constant 200 : i32
      %lt3A_255 = arith.cmpi slt, %add3A_253, %lt3A_254 : i32
      %convert_element_type3A_256 = arith.extui %lt3A_255 : i1 to i32
      %cond3A_257 = arith.constant 0 : i32
      %cond3A_258 = arith.cmpi ne, %convert_element_type3A_256, %cond3A_257 : i32
      scf.if %cond3A_258 {
        %dma_start3A_313 = arith.constant 5 : i32
        %dma_start3A_314 = arith.constant 0 : i32
        %dma_start3A_315 = arith.constant 0 : i32
        %dma_start3A_316 = tpu.memref_slice %arg6[%dma_start3A_313, %dma_start3A_314, %dma_start3A_315] : memref<8x128x64xf32, #tpu.memory_space<vmem>> -> memref<1x128x64xf32, #tpu.memory_space<vmem>>
        %dma_start3A_317 = tpu.memref_squeeze %dma_start3A_316 : memref<1x128x64xf32, #tpu.memory_space<vmem>> -> memref<128x64xf32, #tpu.memory_space<vmem>>
        %dma_start3A_318 = arith.constant 0 : i32
        %dma_start3A_319 = tpu.memref_slice %arg5[%add3A_253, %dma_start3A_318] : memref<200x128xi32, #tpu.memory_space<vmem>> -> memref<1x128xi32, #tpu.memory_space<vmem>>
        %dma_start3A_320 = tpu.memref_squeeze %dma_start3A_319 : memref<1x128xi32, #tpu.memory_space<vmem>> -> memref<128xi32, #tpu.memory_space<vmem>>
        %dma_start3A_321 = arith.constant 0 : i32
        %dma_start3A_322 = arith.constant 0 : i32
        %dma_start3A_323 = tpu.memref_slice %arg2[%dma_start3A_321, %dma_start3A_322] : memref<1000000x64xf32, #tpu.memory_space<hbm>> -> memref<1000000x64xf32, #tpu.memory_space<hbm>>
        tpu.enqueue_indirect_dma source(%dma_start3A_323 : memref<1000000x64xf32, #tpu.memory_space<hbm>>) target(%dma_start3A_317 : memref<128x64xf32, #tpu.memory_space<vmem>>) offsets(%dma_start3A_320 : memref<128xi32, #tpu.memory_space<vmem>>) semaphore(%arg12 : memref<!tpu.dma_semaphore, #tpu.memory_space<semaphore_mem>>)
      } else {
      }
      %mul3A_259 = arith.constant 8 : i32
      %mul3A_260 = arith.muli %scan3A_101, %mul3A_259 : i32
      %add3A_261 = arith.constant 6 : i32
      %add3A_262 = arith.addi %mul3A_260, %add3A_261 : i32
      %dma_wait3A_263 = arith.constant 6 : i32
      %dma_wait3A_264 = arith.constant 0 : i32
      %dma_wait3A_265 = arith.constant 0 : i32
      %dma_wait3A_266 = tpu.memref_slice %arg6[%dma_wait3A_263, %dma_wait3A_264, %dma_wait3A_265] : memref<8x128x64xf32, #tpu.memory_space<vmem>> -> memref<1x128x64xf32, #tpu.memory_space<vmem>>
      %dma_wait3A_267 = tpu.memref_squeeze %dma_wait3A_266 : memref<1x128x64xf32, #tpu.memory_space<vmem>> -> memref<128x64xf32, #tpu.memory_space<vmem>>
      %dma_wait3A_268 = arith.constant 0 : i32
      %dma_wait3A_269 = arith.constant 0 : i32
      %dma_wait3A_270 = tpu.memref_slice %arg2[%dma_wait3A_268, %dma_wait3A_269] : memref<1000000x64xf32, #tpu.memory_space<hbm>> -> memref<128x64xf32, #tpu.memory_space<hbm>>
      %dma_wait3A_271 = arith.constant 0 : i32
      %dma_wait3A_272 = arith.constant 0 : i32
      %dma_wait3A_273 = tpu.memref_slice %arg6[%dma_wait3A_263, %dma_wait3A_271, %dma_wait3A_272] : memref<8x128x64xf32, #tpu.memory_space<vmem>> -> memref<1x128x64xf32, #tpu.memory_space<vmem>>
      %dma_wait3A_274 = tpu.memref_squeeze %dma_wait3A_273 : memref<1x128x64xf32, #tpu.memory_space<vmem>> -> memref<128x64xf32, #tpu.memory_space<vmem>>
      %dma_wait3A_275 = arith.constant 0 : i32
      %dma_wait3A_276 = arith.constant 0 : i32
      %dma_wait3A_277 = tpu.memref_slice %arg2[%dma_wait3A_275, %dma_wait3A_276] : memref<1000000x64xf32, #tpu.memory_space<hbm>> -> memref<128x64xf32, #tpu.memory_space<hbm>>
      tpu.wait_dma2 semaphore(%arg13 : memref<!tpu.dma_semaphore, #tpu.memory_space<semaphore_mem>>) src(%dma_wait3A_277 : memref<128x64xf32, #tpu.memory_space<hbm>>) dst(%dma_wait3A_274 : memref<128x64xf32, #tpu.memory_space<vmem>>)
      %run_scoped3A_278 = arith.constant 6 : i32
      "tpu.region"() ({
        %run_scoped3A_313 = tpu.sem_alloc : memref<!tpu.dma_semaphore, #tpu.memory_space<semaphore_mem>>
        %dma_start3A_314 = arith.constant 0 : i32
        %dma_start3A_315 = arith.constant 0 : i32
        %dma_start3A_316 = tpu.memref_slice %arg6[%run_scoped3A_278, %dma_start3A_314, %dma_start3A_315] : memref<8x128x64xf32, #tpu.memory_space<vmem>> -> memref<1x128x64xf32, #tpu.memory_space<vmem>>
        %dma_start3A_317 = tpu.memref_squeeze %dma_start3A_316 : memref<1x128x64xf32, #tpu.memory_space<vmem>> -> memref<128x64xf32, #tpu.memory_space<vmem>>
        %dma_start3A_318 = arith.constant 0 : i32
        %dma_start3A_319 = arith.constant 0 : i32
        %dma_start3A_320 = tpu.memref_slice %arg4[%add3A, %add3A_262, %dma_start3A_318, %dma_start3A_319] : memref<32x200x128x64xf32, #tpu.memory_space<hbm>> -> memref<1x1x128x64xf32, #tpu.memory_space<hbm>>
        %dma_start3A_321 = tpu.memref_squeeze %dma_start3A_320 : memref<1x1x128x64xf32, #tpu.memory_space<hbm>> -> memref<128x64xf32, #tpu.memory_space<hbm>>
        %dma_start3A_322 = arith.constant 0 : i32
        %dma_start3A_323 = arith.constant 0 : i32
        %dma_start3A_324 = tpu.memref_slice %arg4[%add3A, %add3A_262, %dma_start3A_322, %dma_start3A_323] : memref<32x200x128x64xf32, #tpu.memory_space<hbm>> -> memref<1x1x128x64xf32, #tpu.memory_space<hbm>>
        %dma_start3A_325 = tpu.memref_squeeze %dma_start3A_324 : memref<1x1x128x64xf32, #tpu.memory_space<hbm>> -> memref<128x64xf32, #tpu.memory_space<hbm>>
        %dma_start3A_326 = arith.constant 0 : i32
        %dma_start3A_327 = arith.constant 0 : i32
        %dma_start3A_328 = tpu.memref_slice %arg6[%run_scoped3A_278, %dma_start3A_326, %dma_start3A_327] : memref<8x128x64xf32, #tpu.memory_space<vmem>> -> memref<1x128x64xf32, #tpu.memory_space<vmem>>
        %dma_start3A_329 = tpu.memref_squeeze %dma_start3A_328 : memref<1x128x64xf32, #tpu.memory_space<vmem>> -> memref<128x64xf32, #tpu.memory_space<vmem>>
        tpu.enqueue_dma source(%dma_start3A_329 : memref<128x64xf32, #tpu.memory_space<vmem>>) target(%dma_start3A_325 : memref<128x64xf32, #tpu.memory_space<hbm>>) target_semaphore(%run_scoped3A_313 : memref<!tpu.dma_semaphore, #tpu.memory_space<semaphore_mem>>)
        %dma_wait3A_330 = arith.constant 0 : i32
        %dma_wait3A_331 = arith.constant 0 : i32
        %dma_wait3A_332 = tpu.memref_slice %arg6[%run_scoped3A_278, %dma_wait3A_330, %dma_wait3A_331] : memref<8x128x64xf32, #tpu.memory_space<vmem>> -> memref<1x128x64xf32, #tpu.memory_space<vmem>>
        %dma_wait3A_333 = tpu.memref_squeeze %dma_wait3A_332 : memref<1x128x64xf32, #tpu.memory_space<vmem>> -> memref<128x64xf32, #tpu.memory_space<vmem>>
        %dma_wait3A_334 = arith.constant 0 : i32
        %dma_wait3A_335 = arith.constant 0 : i32
        %dma_wait3A_336 = tpu.memref_slice %arg4[%add3A, %add3A_262, %dma_wait3A_334, %dma_wait3A_335] : memref<32x200x128x64xf32, #tpu.memory_space<hbm>> -> memref<1x1x128x64xf32, #tpu.memory_space<hbm>>
        %dma_wait3A_337 = tpu.memref_squeeze %dma_wait3A_336 : memref<1x1x128x64xf32, #tpu.memory_space<hbm>> -> memref<128x64xf32, #tpu.memory_space<hbm>>
        %dma_wait3A_338 = arith.constant 0 : i32
        %dma_wait3A_339 = arith.constant 0 : i32
        %dma_wait3A_340 = tpu.memref_slice %arg4[%add3A, %add3A_262, %dma_wait3A_338, %dma_wait3A_339] : memref<32x200x128x64xf32, #tpu.memory_space<hbm>> -> memref<1x1x128x64xf32, #tpu.memory_space<hbm>>
        %dma_wait3A_341 = tpu.memref_squeeze %dma_wait3A_340 : memref<1x1x128x64xf32, #tpu.memory_space<hbm>> -> memref<128x64xf32, #tpu.memory_space<hbm>>
        %dma_wait3A_342 = arith.constant 0 : i32
        %dma_wait3A_343 = arith.constant 0 : i32
        %dma_wait3A_344 = tpu.memref_slice %arg6[%run_scoped3A_278, %dma_wait3A_342, %dma_wait3A_343] : memref<8x128x64xf32, #tpu.memory_space<vmem>> -> memref<1x128x64xf32, #tpu.memory_space<vmem>>
        %dma_wait3A_345 = tpu.memref_squeeze %dma_wait3A_344 : memref<1x128x64xf32, #tpu.memory_space<vmem>> -> memref<128x64xf32, #tpu.memory_space<vmem>>
        tpu.wait_dma2 semaphore(%run_scoped3A_313 : memref<!tpu.dma_semaphore, #tpu.memory_space<semaphore_mem>>) src(%dma_wait3A_345 : memref<128x64xf32, #tpu.memory_space<vmem>>) dst(%dma_wait3A_341 : memref<128x64xf32, #tpu.memory_space<hbm>>)
        tpu.yield
      }) : () -> ()
      %add3A_279 = arith.constant 8 : i32
      %add3A_280 = arith.addi %add3A_262, %add3A_279 : i32
      %lt3A_281 = arith.constant 200 : i32
      %lt3A_282 = arith.cmpi slt, %add3A_280, %lt3A_281 : i32
      %convert_element_type3A_283 = arith.extui %lt3A_282 : i1 to i32
      %cond3A_284 = arith.constant 0 : i32
      %cond3A_285 = arith.cmpi ne, %convert_element_type3A_283, %cond3A_284 : i32
      scf.if %cond3A_285 {
        %dma_start3A_313 = arith.constant 6 : i32
        %dma_start3A_314 = arith.constant 0 : i32
        %dma_start3A_315 = arith.constant 0 : i32
        %dma_start3A_316 = tpu.memref_slice %arg6[%dma_start3A_313, %dma_start3A_314, %dma_start3A_315] : memref<8x128x64xf32, #tpu.memory_space<vmem>> -> memref<1x128x64xf32, #tpu.memory_space<vmem>>
        %dma_start3A_317 = tpu.memref_squeeze %dma_start3A_316 : memref<1x128x64xf32, #tpu.memory_space<vmem>> -> memref<128x64xf32, #tpu.memory_space<vmem>>
        %dma_start3A_318 = arith.constant 0 : i32
        %dma_start3A_319 = tpu.memref_slice %arg5[%add3A_280, %dma_start3A_318] : memref<200x128xi32, #tpu.memory_space<vmem>> -> memref<1x128xi32, #tpu.memory_space<vmem>>
        %dma_start3A_320 = tpu.memref_squeeze %dma_start3A_319 : memref<1x128xi32, #tpu.memory_space<vmem>> -> memref<128xi32, #tpu.memory_space<vmem>>
        %dma_start3A_321 = arith.constant 0 : i32
        %dma_start3A_322 = arith.constant 0 : i32
        %dma_start3A_323 = tpu.memref_slice %arg2[%dma_start3A_321, %dma_start3A_322] : memref<1000000x64xf32, #tpu.memory_space<hbm>> -> memref<1000000x64xf32, #tpu.memory_space<hbm>>
        tpu.enqueue_indirect_dma source(%dma_start3A_323 : memref<1000000x64xf32, #tpu.memory_space<hbm>>) target(%dma_start3A_317 : memref<128x64xf32, #tpu.memory_space<vmem>>) offsets(%dma_start3A_320 : memref<128xi32, #tpu.memory_space<vmem>>) semaphore(%arg13 : memref<!tpu.dma_semaphore, #tpu.memory_space<semaphore_mem>>)
      } else {
      }
      %mul3A_286 = arith.constant 8 : i32
      %mul3A_287 = arith.muli %scan3A_101, %mul3A_286 : i32
      %add3A_288 = arith.constant 7 : i32
      %add3A_289 = arith.addi %mul3A_287, %add3A_288 : i32
      %dma_wait3A_290 = arith.constant 7 : i32
      %dma_wait3A_291 = arith.constant 0 : i32
      %dma_wait3A_292 = arith.constant 0 : i32
      %dma_wait3A_293 = tpu.memref_slice %arg6[%dma_wait3A_290, %dma_wait3A_291, %dma_wait3A_292] : memref<8x128x64xf32, #tpu.memory_space<vmem>> -> memref<1x128x64xf32, #tpu.memory_space<vmem>>
      %dma_wait3A_294 = tpu.memref_squeeze %dma_wait3A_293 : memref<1x128x64xf32, #tpu.memory_space<vmem>> -> memref<128x64xf32, #tpu.memory_space<vmem>>
      %dma_wait3A_295 = arith.constant 0 : i32
      %dma_wait3A_296 = arith.constant 0 : i32
      %dma_wait3A_297 = tpu.memref_slice %arg2[%dma_wait3A_295, %dma_wait3A_296] : memref<1000000x64xf32, #tpu.memory_space<hbm>> -> memref<128x64xf32, #tpu.memory_space<hbm>>
      %dma_wait3A_298 = arith.constant 0 : i32
      %dma_wait3A_299 = arith.constant 0 : i32
      %dma_wait3A_300 = tpu.memref_slice %arg6[%dma_wait3A_290, %dma_wait3A_298, %dma_wait3A_299] : memref<8x128x64xf32, #tpu.memory_space<vmem>> -> memref<1x128x64xf32, #tpu.memory_space<vmem>>
      %dma_wait3A_301 = tpu.memref_squeeze %dma_wait3A_300 : memref<1x128x64xf32, #tpu.memory_space<vmem>> -> memref<128x64xf32, #tpu.memory_space<vmem>>
      %dma_wait3A_302 = arith.constant 0 : i32
      %dma_wait3A_303 = arith.constant 0 : i32
      %dma_wait3A_304 = tpu.memref_slice %arg2[%dma_wait3A_302, %dma_wait3A_303] : memref<1000000x64xf32, #tpu.memory_space<hbm>> -> memref<128x64xf32, #tpu.memory_space<hbm>>
      tpu.wait_dma2 semaphore(%arg14 : memref<!tpu.dma_semaphore, #tpu.memory_space<semaphore_mem>>) src(%dma_wait3A_304 : memref<128x64xf32, #tpu.memory_space<hbm>>) dst(%dma_wait3A_301 : memref<128x64xf32, #tpu.memory_space<vmem>>)
      %run_scoped3A_305 = arith.constant 7 : i32
      "tpu.region"() ({
        %run_scoped3A_313 = tpu.sem_alloc : memref<!tpu.dma_semaphore, #tpu.memory_space<semaphore_mem>>
        %dma_start3A_314 = arith.constant 0 : i32
        %dma_start3A_315 = arith.constant 0 : i32
        %dma_start3A_316 = tpu.memref_slice %arg6[%run_scoped3A_305, %dma_start3A_314, %dma_start3A_315] : memref<8x128x64xf32, #tpu.memory_space<vmem>> -> memref<1x128x64xf32, #tpu.memory_space<vmem>>
        %dma_start3A_317 = tpu.memref_squeeze %dma_start3A_316 : memref<1x128x64xf32, #tpu.memory_space<vmem>> -> memref<128x64xf32, #tpu.memory_space<vmem>>
        %dma_start3A_318 = arith.constant 0 : i32
        %dma_start3A_319 = arith.constant 0 : i32
        %dma_start3A_320 = tpu.memref_slice %arg4[%add3A, %add3A_289, %dma_start3A_318, %dma_start3A_319] : memref<32x200x128x64xf32, #tpu.memory_space<hbm>> -> memref<1x1x128x64xf32, #tpu.memory_space<hbm>>
        %dma_start3A_321 = tpu.memref_squeeze %dma_start3A_320 : memref<1x1x128x64xf32, #tpu.memory_space<hbm>> -> memref<128x64xf32, #tpu.memory_space<hbm>>
        %dma_start3A_322 = arith.constant 0 : i32
        %dma_start3A_323 = arith.constant 0 : i32
        %dma_start3A_324 = tpu.memref_slice %arg4[%add3A, %add3A_289, %dma_start3A_322, %dma_start3A_323] : memref<32x200x128x64xf32, #tpu.memory_space<hbm>> -> memref<1x1x128x64xf32, #tpu.memory_space<hbm>>
        %dma_start3A_325 = tpu.memref_squeeze %dma_start3A_324 : memref<1x1x128x64xf32, #tpu.memory_space<hbm>> -> memref<128x64xf32, #tpu.memory_space<hbm>>
        %dma_start3A_326 = arith.constant 0 : i32
        %dma_start3A_327 = arith.constant 0 : i32
        %dma_start3A_328 = tpu.memref_slice %arg6[%run_scoped3A_305, %dma_start3A_326, %dma_start3A_327] : memref<8x128x64xf32, #tpu.memory_space<vmem>> -> memref<1x128x64xf32, #tpu.memory_space<vmem>>
        %dma_start3A_329 = tpu.memref_squeeze %dma_start3A_328 : memref<1x128x64xf32, #tpu.memory_space<vmem>> -> memref<128x64xf32, #tpu.memory_space<vmem>>
        tpu.enqueue_dma source(%dma_start3A_329 : memref<128x64xf32, #tpu.memory_space<vmem>>) target(%dma_start3A_325 : memref<128x64xf32, #tpu.memory_space<hbm>>) target_semaphore(%run_scoped3A_313 : memref<!tpu.dma_semaphore, #tpu.memory_space<semaphore_mem>>)
        %dma_wait3A_330 = arith.constant 0 : i32
        %dma_wait3A_331 = arith.constant 0 : i32
        %dma_wait3A_332 = tpu.memref_slice %arg6[%run_scoped3A_305, %dma_wait3A_330, %dma_wait3A_331] : memref<8x128x64xf32, #tpu.memory_space<vmem>> -> memref<1x128x64xf32, #tpu.memory_space<vmem>>
        %dma_wait3A_333 = tpu.memref_squeeze %dma_wait3A_332 : memref<1x128x64xf32, #tpu.memory_space<vmem>> -> memref<128x64xf32, #tpu.memory_space<vmem>>
        %dma_wait3A_334 = arith.constant 0 : i32
        %dma_wait3A_335 = arith.constant 0 : i32
        %dma_wait3A_336 = tpu.memref_slice %arg4[%add3A, %add3A_289, %dma_wait3A_334, %dma_wait3A_335] : memref<32x200x128x64xf32, #tpu.memory_space<hbm>> -> memref<1x1x128x64xf32, #tpu.memory_space<hbm>>
        %dma_wait3A_337 = tpu.memref_squeeze %dma_wait3A_336 : memref<1x1x128x64xf32, #tpu.memory_space<hbm>> -> memref<128x64xf32, #tpu.memory_space<hbm>>
        %dma_wait3A_338 = arith.constant 0 : i32
        %dma_wait3A_339 = arith.constant 0 : i32
        %dma_wait3A_340 = tpu.memref_slice %arg4[%add3A, %add3A_289, %dma_wait3A_338, %dma_wait3A_339] : memref<32x200x128x64xf32, #tpu.memory_space<hbm>> -> memref<1x1x128x64xf32, #tpu.memory_space<hbm>>
        %dma_wait3A_341 = tpu.memref_squeeze %dma_wait3A_340 : memref<1x1x128x64xf32, #tpu.memory_space<hbm>> -> memref<128x64xf32, #tpu.memory_space<hbm>>
        %dma_wait3A_342 = arith.constant 0 : i32
        %dma_wait3A_343 = arith.constant 0 : i32
        %dma_wait3A_344 = tpu.memref_slice %arg6[%run_scoped3A_305, %dma_wait3A_342, %dma_wait3A_343] : memref<8x128x64xf32, #tpu.memory_space<vmem>> -> memref<1x128x64xf32, #tpu.memory_space<vmem>>
        %dma_wait3A_345 = tpu.memref_squeeze %dma_wait3A_344 : memref<1x128x64xf32, #tpu.memory_space<vmem>> -> memref<128x64xf32, #tpu.memory_space<vmem>>
        tpu.wait_dma2 semaphore(%run_scoped3A_313 : memref<!tpu.dma_semaphore, #tpu.memory_space<semaphore_mem>>) src(%dma_wait3A_345 : memref<128x64xf32, #tpu.memory_space<vmem>>) dst(%dma_wait3A_341 : memref<128x64xf32, #tpu.memory_space<hbm>>)
        tpu.yield
      }) : () -> ()
      %add3A_306 = arith.constant 8 : i32
      %add3A_307 = arith.addi %add3A_289, %add3A_306 : i32
      %lt3A_308 = arith.constant 200 : i32
      %lt3A_309 = arith.cmpi slt, %add3A_307, %lt3A_308 : i32
      %convert_element_type3A_310 = arith.extui %lt3A_309 : i1 to i32
      %cond3A_311 = arith.constant 0 : i32
      %cond3A_312 = arith.cmpi ne, %convert_element_type3A_310, %cond3A_311 : i32
      scf.if %cond3A_312 {
        %dma_start3A_313 = arith.constant 7 : i32
        %dma_start3A_314 = arith.constant 0 : i32
        %dma_start3A_315 = arith.constant 0 : i32
        %dma_start3A_316 = tpu.memref_slice %arg6[%dma_start3A_313, %dma_start3A_314, %dma_start3A_315] : memref<8x128x64xf32, #tpu.memory_space<vmem>> -> memref<1x128x64xf32, #tpu.memory_space<vmem>>
        %dma_start3A_317 = tpu.memref_squeeze %dma_start3A_316 : memref<1x128x64xf32, #tpu.memory_space<vmem>> -> memref<128x64xf32, #tpu.memory_space<vmem>>
        %dma_start3A_318 = arith.constant 0 : i32
        %dma_start3A_319 = tpu.memref_slice %arg5[%add3A_307, %dma_start3A_318] : memref<200x128xi32, #tpu.memory_space<vmem>> -> memref<1x128xi32, #tpu.memory_space<vmem>>
        %dma_start3A_320 = tpu.memref_squeeze %dma_start3A_319 : memref<1x128xi32, #tpu.memory_space<vmem>> -> memref<128xi32, #tpu.memory_space<vmem>>
        %dma_start3A_321 = arith.constant 0 : i32
        %dma_start3A_322 = arith.constant 0 : i32
        %dma_start3A_323 = tpu.memref_slice %arg2[%dma_start3A_321, %dma_start3A_322] : memref<1000000x64xf32, #tpu.memory_space<hbm>> -> memref<1000000x64xf32, #tpu.memory_space<hbm>>
        tpu.enqueue_indirect_dma source(%dma_start3A_323 : memref<1000000x64xf32, #tpu.memory_space<hbm>>) target(%dma_start3A_317 : memref<128x64xf32, #tpu.memory_space<vmem>>) offsets(%dma_start3A_320 : memref<128xi32, #tpu.memory_space<vmem>>) semaphore(%arg14 : memref<!tpu.dma_semaphore, #tpu.memory_space<semaphore_mem>>)
      } else {
      }
    }
    %scan3A_100 = arith.constant 25 : i32
    return
  }
}

</mosaic_0001>

<sc_bundles>
// kernel: _sc_gather.3.cloned.1.call-start
scs
__scs_entry_jumppad:
0x0: {  	(pc) =	sbr.rel $0x88, $3  }
0x1: {  	(tag) =	ssettag $0x0;
	lr =	simm.s32 $0x1  }
0x2: {  	[smem:$0x3F9F] =	sst lr;
	_ =	strace $0xD0000000  }
0x3: {  	_ = 	snop  }
0x4: {  	_ = 	snop  }
0x5: {  	_ = 	snop  }
0x6: {  	_ = 	snop  }
0x7: {  	_ = 	snop  }
__scs_overlays_trampoline_lowered:
0x8: {  	[smem:$0x3FAE] =	sst s0  }
0x9: {  	[smem:$0x3FAF] =	sst s1  }
0xa: {  	[smem:$0x3FB0] =	sst s2  }
0xb: {  	[smem:$0x3FB1] =	sst s3  }
0xc: {  	[smem:$0x3FB2] =	sst s4  }
0xd: {  	[smem:$0x3FB3] =	sst s5  }
0xe: {  	[smem:$0x3FB4] =	sst s6  }
0xf: {  	[smem:$0x3FB5] =	sst s7  }
0x10: {  	[smem:$0x3FB6] =	sst s8  }
0x11: {  	[smem:$0x3FB7] =	sst s9;
	s0 =	simm.s32 @!p0 $0x0  }
0x12: {  	s1 =	sld [smem:$0x3F9D];
	s0 =	simm.s32 @p0 $0x1  }
0x13: {  	[smem:$0x3FB8] =	sst s0;
	s0 =	simm.s32 @!p1 $0x0  }
0x14: {  	s2 =	sld [smem:$0x3F9C];
	s0 =	simm.s32 @p1 $0x1  }
0x15: {  	[smem:$0x3FB9] =	sst s0;
	s0 =	simm.s32 @!p2 $0x0  }
0x16: {  	s3 =	sld [smem:$0x3FDB];
	s0 =	simm.s32 @p2 $0x1  }
0x17: {  	s4 =	simm.s32 $0x1BF5;
	[smem:$0x3FBB] =	sst s0  }
0x18: {  	s0 =	sld [smem:$0x3F9E];
	_ =	swait.ge [sflag:s4], $0x0  }
0x19: {  	s7 =	sld [smem:$0x3F9F]  }
0x1a: {  	s8 =	sadd.s32 $0xFFFFE003, lr  }
0x1b: {  	s9 =	sadd.s32 $0xFFFFFEF7, lr;
	s5 =	simm.s32 $0xFFFFFFFF;
	p2 =	slt.u32 s8, $0xFFFFF086  }
0x1c: {  	p1 =	slt.u32 s9, $0xF7A;
	s5 =	simm.s32 @!p2 $0x0  }
0x1d: {  	s5 =	simm.s32 @p1 $0x1;
	p0 =	seq.s32 s7, s2  }
0x1e: {  	s7 =	smul.u32 @!p0 $0xF7A, s2;
	p2 =	seq.s32 @!p0 s5, $0x0  }
0x1f: {  	s9 =	smul.u32 $0xF7A, s1;
	s8 =	simm.s32 @!p0 $0x1BF5;
	p2 =	por !p2, p0  }
0x20: {  	[sflag:s8] =	ssyncset.s32 @!p0 $0xFFFFF086;
	s6 =	sadd.s32 @!p0 s3, s7;
	s7 =	simm.s32 @!p0 $0x108  }
0x21: {  	s3 =	sadd.s32 s3, s9;
	s6 =	sadd.s32 @!p0 $0x88, s6;
	s7 =	simm.s32 @p2 $0x1082  }
0x22: {  	[simem:s7], [sflag:s8] =	dma.local @!p0 [hbm:s6], $0xF7A  }
0x23: {  	s9 =	sor.u32 $0xD0000000, s2;
	s6 =	simm.s32 $0x108;
	_ =	swait.ge @!p0 [sflag:s8], $0x0  }
0x24: {  	s3 =	sadd.s32 $0x88, s3;
	s6 =	simm.s32 @!p1 $0x1082;
	[sflag:s4] =	ssyncset.s32 $0xFFFFF086  }
0x25: {  	[simem:s6], [sflag:s4] =	dma.local [hbm:s3], $0xF7A  }
0x26: {  	[smem:$0x3F9F] =	sst s1;
	(tag) =	ssettag s2;
	_ =	strace s9  }
0x27: {  	s1 =	sld [smem:$0x3FAF]  }
0x28: {  	s2 =	sld [smem:$0x3FB0]  }
0x29: {  	s4 =	sld [smem:$0x3FB2]  }
0x2a: {  	p0 =	seq.s32 s5, $0x0;
	s5 =	sld [smem:$0x3FB3]  }
0x2b: {  	s6 =	sld [smem:$0x3FB4]  }
0x2c: {  	s7 =	sld [smem:$0x3FB5]  }
0x2d: {  	s3 =	simm.s32 $0x108;
	s8 =	sld [smem:$0x3FB6]  }
0x2e: {  	s3 =	simm.s32 @!p0 $0x1082;
	s9 =	sld [smem:$0x3FB7]  }
0x2f: {  	lr =	sadd.s32 s0, s3;
	s0 =	sld [smem:$0x3FAE]  }
0x30: {  	s3 =	sld [smem:$0x3FB1]  }
0x31: {  	[smem:$0x3FBA] =	sst s10  }
0x32: {  	s10 =	sld [smem:$0x3FB8];
	_ =	sdelay $0x3  }
0x33: {  	p0 =	seq.s32 s10, $0x1;
	s10 =	sld [smem:$0x3FBA];
	_ =	sdelay $0x3  }
0x34: {  	[smem:$0x3FBA] =	sst s10  }
0x35: {  	s10 =	sld [smem:$0x3FB9];
	_ =	sdelay $0x3  }
0x36: {  	p1 =	seq.s32 s10, $0x1;
	s10 =	sld [smem:$0x3FBA];
	_ =	sdelay $0x3  }
0x37: {  	[smem:$0x3FBA] =	sst s10  }
0x38: {  	s10 =	sld [smem:$0x3FBB]  }
0x39: {  	_ = 	snop;
	(pc) =	sbr.ind lr, $3  }
0x3a: {  	_ = 	snop  }
0x3b: {  	_ = 	snop  }
0x3c: {  	p2 =	seq.s32 s10, $0x1;
	s10 =	sld [smem:$0x3FBA]  }
0x3d: {  	_ =	shalt  }
0x3e: {  	_ =	shalt  }
0x3f: {  	_ =	shalt  }
0x40: {  	_ =	shalt  }
0x41: {  	_ =	shalt  }
0x42: {  	_ =	shalt  }
0x43: {  	_ =	shalt  }
0x44: {  	_ =	shalt  }
0x45: {  	_ =	shalt  }
0x46: {  	_ =	shalt  }
0x47: {  	_ =	shalt  }
0x48: {  	_ =	shalt  }
0x49: {  	_ =	shalt  }
0x4a: {  	_ =	shalt  }
0x4b: {  	_ =	shalt  }
0x4c: {  	_ =	shalt  }
0x4d: {  	_ =	shalt  }
0x4e: {  	_ =	shalt  }
0x4f: {  	_ =	shalt  }
0x50: {  	_ =	shalt  }
0x51: {  	_ =	shalt  }
0x52: {  	_ =	shalt  }
0x53: {  	_ =	shalt  }
0x54: {  	_ =	shalt  }
0x55: {  	_ =	shalt  }
0x56: {  	_ =	shalt  }
0x57: {  	_ =	shalt  }
0x58: {  	_ =	shalt  }
0x59: {  	_ =	shalt  }
0x5a: {  	_ =	shalt  }
0x5b: {  	_ =	shalt  }
0x5c: {  	_ =	shalt  }
0x5d: {  	_ =	shalt  }
0x5e: {  	_ =	shalt  }
0x5f: {  	_ =	shalt  }
0x60: {  	_ =	shalt  }
0x61: {  	_ =	shalt  }
0x62: {  	_ =	shalt  }
0x63: {  	_ =	shalt  }
0x64: {  	_ =	shalt  }
0x65: {  	_ =	shalt  }
0x66: {  	_ =	shalt  }
0x67: {  	_ =	shalt  }
0x68: {  	_ =	shalt  }
0x69: {  	_ =	shalt  }
0x6a: {  	_ =	shalt  }
0x6b: {  	_ =	shalt  }
0x6c: {  	_ =	shalt  }
0x6d: {  	_ =	shalt  }
0x6e: {  	_ =	shalt  }
0x6f: {  	_ =	shalt  }
0x70: {  	_ =	shalt  }
0x71: {  	_ =	shalt  }
0x72: {  	_ =	shalt  }
0x73: {  	_ =	shalt  }
0x74: {  	_ =	shalt  }
0x75: {  	_ =	shalt  }
0x76: {  	_ =	shalt  }
0x77: {  	_ =	shalt  }
0x78: {  	_ =	shalt  }
0x79: {  	_ =	shalt  }
0x7a: {  	_ =	shalt  }
0x7b: {  	_ =	shalt  }
0x7c: {  	_ =	shalt  }
0x7d: {  	_ =	shalt  }
0x7e: {  	_ =	shalt  }
0x7f: {  	_ =	shalt  }
0x80: {  	_ =	shalt  }
0x81: {  	_ =	shalt  }
0x82: {  	_ =	shalt  }
0x83: {  	_ =	shalt  }
0x84: {  	_ =	shalt  }
0x85: {  	_ =	shalt  }
0x86: {  	_ =	shalt  }
0x87: {  	_ =	shalt  }
.Lfunc_end0:
.L_simem_size_0:
called_computation.1_lowered:
.L_overlay_start_0:
0x88: {  	s2 =	sld [smem:$0x3FD9]  }
0x89: {  	s3 =	sld [smem:$0x3FFE];
	_ =	sdelay $0x1  }
0x8a: {  	s1 =	srdreg.scid  }
0x8b: {  	s0 =	sand.u32 $0x1, s1  }
0x8c: {  	s17 =	sshll.u32 s0, $0xA;
	s2 =	sadd.s32 s3, s2  }
0x8d: {  	s2 =	sadd.s32 s2, s17  }
0x8e: {  	[smem:$0x3FC6] =	sst s2  }
0x8f: {  	_ = 	snop  }
0x90: {  	s2 =	sld [smem:$0x3FC8]  }
0x91: {  	s18 =	sld [smem:$0x3FD0];
	(tm) =	ssettm $0x1  }
0x92: {  	s4 =	sld [smem:$0x3FFB];
	_ =	sdelay $0x3  }
0x93: {  	_ =	strace s4  }
0x94: {  	s4 =	sld [smem:$0x3FFC];
	_ =	sdelay $0x3  }
0x95: {  	_ =	strace s4  }
0x96: {  	s4 =	sld [smem:$0x3FFD];
	_ =	sdelay $0x3  }
0x97: {  	_ =	strace s4  }
0x98: {  	_ =	strace $0x8FFFFFFF  }
0x99: {  	s19 =	sld [smem:$0x3FDB];
	_ =	sdelay $0x1  }
0x9a: {  	s5 =	simm.s32 $_scs_section_size  }
0x9b: {  	s6 =	simm.s32 $_size__tile_overlayer_lowered;
	s7 =	simm.s32 $_tile_overlayer_lowered  }
0x9c: {  	s22 =	simm.s32 $0x1BFF;
	s21 =	sshll.u32 s7, $0x1;
	s4 =	sadd.s32 s5, s19  }
0x9d: {  	s8 =	simm.s32 $0x0;
	s20 =	sshll.u32 s6, $0x1;
	s6 =	sadd.s32 s21, s4  }
0x9e: {  	[timem:s8], [sflag:s22] =	dma.local [hbm:s6], s20  }
0x9f: {  	_ =	swait.ge [sflag:s22], s20  }
0xa0: {  	s5 =	ssub.s32 $0x0, s20;
	[sflag:s22] =	ssyncset.done $0x0  }
0xa1: {  	[sflag:s22] =	ssyncadd.s32 s5;
	_ =	sdelay $0x1  }
0xa2: {  	s23 =	simm.s32 $0x1B8B  }
0xa3: {  	_ =	swait.ge [sflag:s23], $0x1  }
0xa4: {  	[sflag:s23] =	ssyncset.done $0x0  }
0xa5: {  	s25 =	simm.s32 $0x1B8E;
	s24 =	sld [smem:$0x3FFE];
	[sflag:s23] =	ssyncadd.s32 $0xFFFFFFFF  }
0xa6: {  	s26 =	simm.s32 $execute0_lowered;
	[smem:$0x3FD2] =	sst s25  }
0xa7: {  	s6 =	sshll.u32 s26, $0x1;
	_ =	strace $0x80000046;
	[dreg:$0x1] =	wrdreg $0xFFFFFFFF  }
0xa8: {  	s28 =	simm.s32 $_size_execute0_lowered;
	s4 =	sadd.s32 s4, s6;
	[dreg:$0x0] =	wrdreg $0x0  }
0xa9: {  	s6 =	sshll.u32 s28, $0x1;
	[dreg:$0x2] =	wrdreg s4  }
0xaa: {  	[dreg:$0x3] =	wrdreg s6  }
0xab: {  	[dreg:$0x4] =	wrdreg $0xC0  }
0xac: {  	_ =	task [dreg:s8], $0x5FFFF  }
0xad: {  	[dreg:$0x1] =	wrdreg $0xFFFFFFFF  }
0xae: {  	[dreg:$0x0] =	wrdreg $0x60  }
0xaf: {  	[dreg:$0x2] =	wrdreg s24  }
0xb0: {  	[dreg:$0x3] =	wrdreg s2  }
0xb1: {  	[dreg:$0x4] =	wrdreg s18  }
0xb2: {  	[dreg:$0x5] =	wrdreg $0x9  }
0xb3: {  	_ =	task.clear_ibuf [dreg:s8], $0x6FFFF;
	_ =	strace $0x90000046  }
0xb4: {  	s29 =	simm.s32 $0x9;
	_ =	strace $0x80000048  }
0xb5: {  	_ =	swait.ge [sflag:s29], $0x1  }
0xb6: {  	[sflag:s29] =	ssyncadd.s32 $0xFFFFFFFF  }
0xb7: {  	_ =	strace $0x90000048  }
0xb8: {  	_ =	sfence  }
0xb9: {  	s30 =	sld [smem:$0x0];
	_ =	sdelay $0x2  }
0xba: {  	s31 =	sshll.u32 s1, $0xD;
	s1 =	sshrl.u32 s1, $0x2  }
0xbb: {  	s3 =	sand.u32 $0x4000, s31;
	s1 =	sadd.s32 s1, s30  }
0xbc: {  	s0 =	sor.u32 s3, s0;
	s1 =	sshll.u32 s1, $0x11  }
0xbd: {  	s0 =	sor.u32 s1, s0  }
0xbe: {  	s0 =	sadd.s32 $0x8F2B, s0  }
0xbf: {  	[sflag:s0] =	ssyncadd.remote.s32 $0x1  }
0xc0: {  	_ =	sfence.sel $0xFFFF  }
0xc1: {  	[dreg:$0x0] =	wrdreg $0xFFFFFFFF;
	(pc) =	sbr.abs _section_cstart, $3  }
0xc2: {  	[dreg:$0x1] =	wrdreg $0xFFFFFFFF  }
0xc3: {  	_ =	task.clear_ibuf [dreg:s8], $0x2FFFF;
	_ =	strace $0x9FFFFFFF  }
0xc4: {  	(tm) =	ssettm $0x7FFFFFFF  }
0xc5: {  	_ =	shalt  }
tec
execute0_lowered:
.L_overlay_start_1:
0x0: {  	(tag) =	ssettag $0x1  }
0x1: {  	s0 =	rddreg [dreg:$0x0]  }
0x2: {  	s1 =	rddreg [dreg:$0x1]  }
0x3: {  	s4 =	rddreg [dreg:$0x2];
	s2 =	simm.s32 $0x0  }
0x4: {  	s3 =	srdreg.scid;
	s6 =	stileid.u32;
	s28 =	simm.s32 $0x12400  }
0x5: {  	s30 =	simm.s32 $0x14400;
	s31 =	simm.s32 $0x1;
	s3 =	sand.u32 $0x1, s3  }
0x6: {  	s5 =	sshll.u32 s6, $0x1;
	s6 =	smul.u32 $0x320000, s6;
	[smem:$0x7FF] =	sst s2  }
0x7: {  	s5 =	sor.u32 s3, s5;
	s7 =	smul.u32 $0x190000, s3;
	s8 =	ssub.s32 $0x2, s3  }
0x8: {  	_ =	strace $0x80000047;
	s5 =	smul.u32 $0xC80, s5;
	s11 =	sshrl.u32 s8, $0x1  }
0x9: {  	s3 =	sadd.s32 $0xF42C00, s0;
	s12 =	sadd.s32 s7, s6;
	s0 =	ssub.s32 s8, s11  }
0xa: {  	s1 =	sadd.s32 s1, s5;
	s13 =	sor.u32 $0xE000, s12;
	s0 =	smax.u32 s0, $0x1  }
0xb: {  	s15 =	sor.u32 $0xC000, s12;
	s17 =	sor.u32 $0xA000, s12;
	s19 =	sor.u32 $0x8000, s12  }
0xc: {  	s21 =	sor.u32 $0x6000, s12;
	s23 =	sor.u32 $0x4000, s12;
	s25 =	sor.u32 $0x2000, s12  }
0xd: {  	s29 =	sshrl.u32 s12, $0x3;
	s5 =	simm.s32 $0x0;
	[dreg:$0x4] =	wrdreg s1  }
0xe: {  	[dreg:$0x5] =	wrdreg s0;
	s14 =	sshrl.u32 s13, $0x3;
	s16 =	sshrl.u32 s15, $0x3  }
0xf: {  	s18 =	sshrl.u32 s17, $0x3;
	s20 =	sshrl.u32 s19, $0x3;
	s22 =	sshrl.u32 s21, $0x3  }
0x10: {  	s24 =	sshrl.u32 s23, $0x3;
	s26 =	sshrl.u32 s25, $0x3;
	s13 =	sadd.s32 s29, s4  }
0x11: {  	s15 =	simm.s32 $0x80;
	s19 =	simm.s32 $0xA400;
	s21 =	simm.s32 $0xC400  }
0x12: {  	s23 =	simm.s32 $0xE400;
	s25 =	simm.s32 $0x10400;
	s0 =	simm.s32 $0x2  }
.Ltmp0:
0x13: {  	s1 =	simm.s32 $0x3;
	s6 =	sadd.s32 s14, s4;
	(pc) =	sbr.rel .LBB2_1-.Ltmp0, $4  }
0x14: {  	s7 =	sadd.s32 s16, s4;
	s8 =	sadd.s32 s18, s4;
	s9 =	sadd.s32 s20, s4  }
0x15: {  	s10 =	sadd.s32 s22, s4;
	s11 =	sadd.s32 s24, s4;
	s12 =	sadd.s32 s26, s4  }
0x16: {  	s14 =	simm.s32 $0x9;
	s18 =	simm.s32 $0x4;
	s20 =	simm.s32 $0x5  }
0x17: {  	s22 =	simm.s32 $0x6;
	s24 =	simm.s32 $0x7;
	s26 =	simm.s32 $0x8  }
.LBB2_4:
0x18: {  	s5 =	rddreg [dreg:$0x6]  }
0x19: {  	s4 =	rddreg [dreg:$0x5];
	s5 =	sadd.s32 $0x1, s5  }
0x1a: {  	p0 =	sne.s32 s5, s4  }
.Ltmp1:
0x1b: {  	_ = 	snop;
	(pc) =	sbr.rel @!p0 .LBB2_5-.Ltmp1, $1  }
0x1c: {  	_ =	sdelay $0x3  }
.LBB2_1:
0x1d: {  	[dreg:$0x6] =	wrdreg s5  }
0x1e: {  	s4 =	rddreg [dreg:$0x4]  }
0x1f: {  	[tilespmem:s2], [sflag:$0x9] =	stream.linear.gather [hbm4b:s4+s2], $0x6400, $0x38;
	[tilespmem:$0x16400] =	vst v63  }
0x20: {  	_ =	swait.ge [sflag:s14], $0x6400  }
0x21: {  	[sflag:s14] =	ssyncset.done $0x0  }
0x22: {  	s5 =	simm.s32 $0x6400;
	[sflag:s14] =	ssyncadd.s32 $0xFFFF9C00  }
0x23: {  	[tilespmem:s5], [sflag:$0x1] =	stream.indirect.gather [hbm4b:s3+s15], $0x40, s2, s15, $0xb8;
	[tilespmem:$0x16400] =	vst v63  }
0x24: {  	s16 =	simm.s32 $0x8400  }
0x25: {  	[tilespmem:s16], [sflag:$0x2] =	stream.indirect.gather [hbm4b:s3+s15], $0x40, s15, s15, $0xb8;
	[tilespmem:$0x16400] =	vst v63  }
0x26: {  	s17 =	simm.s32 $0x100  }
0x27: {  	[tilespmem:s19], [sflag:$0x3] =	stream.indirect.gather [hbm4b:s3+s15], $0x40, s17, s15, $0xb8;
	[tilespmem:$0x16400] =	vst v63  }
0x28: {  	s29 =	simm.s32 $0x180  }
0x29: {  	[tilespmem:s21], [sflag:$0x4] =	stream.indirect.gather [hbm4b:s3+s15], $0x40, s29, s15, $0xb8;
	[tilespmem:$0x16400] =	vst v63  }
0x2a: {  	s5 =	simm.s32 $0x200  }
0x2b: {  	[tilespmem:s23], [sflag:$0x5] =	stream.indirect.gather [hbm4b:s3+s15], $0x40, s5, s15, $0xb8;
	[tilespmem:$0x16400] =	vst v63  }
0x2c: {  	s16 =	simm.s32 $0x280  }
0x2d: {  	[tilespmem:s25], [sflag:$0x6] =	stream.indirect.gather [hbm4b:s3+s15], $0x40, s16, s15, $0xb8;
	[tilespmem:$0x16400] =	vst v63  }
0x2e: {  	s17 =	simm.s32 $0x300  }
0x2f: {  	[tilespmem:s28], [sflag:$0x7] =	stream.indirect.gather [hbm4b:s3+s15], $0x40, s17, s15, $0xb8;
	[tilespmem:$0x16400] =	vst v63  }
0x30: {  	s4 =	simm.s32 $0x400;
	s29 =	simm.s32 $0x380;
	s5 =	simm.s32 $0x0  }
0x31: {  	[tilespmem:s30], [sflag:$0x8] =	stream.indirect.gather [hbm4b:s3+s15], $0x40, s29, s15, $0xb8;
	[tilespmem:$0x16400] =	vst v63  }
.LBB2_2:
0x32: {  	_ =	swait.ge [sflag:s31], $0x2000  }
0x33: {  	[sflag:s31] =	ssyncset.done $0x0  }
0x34: {  	s29 =	sadd.s32 s5, s13;
	s16 =	simm.s32 $0x6400;
	[sflag:s31] =	ssyncadd.s32 $0xFFFFE000  }
0x35: {  	[hbm4b:s29+s2] =	stream.linear.scatter [tilespmem:s16], [sflag:$0x9], $0x2000, $0x38;
	[tilespmem:$0x16400] =	vst v63  }
0x36: {  	_ =	swait.ge [sflag:s14], $0x2000  }
0x37: {  	p0 =	seq.s32 s5, $0x30000;
	[sflag:s14] =	ssyncset.done $0x0  }
0x38: {  	s29 =	simm.s32 @!p0 $0x80;
	s16 =	simm.s32 @!p0 $0x6400;
	[sflag:s14] =	ssyncadd.s32 $0xFFFFE000  }
0x39: {  	[tilespmem:s16], [sflag:$0x1] =	stream.indirect.gather @!p0 [hbm4b:s3+s29], $0x40, s4, s29, $0xb8;
	[tilespmem:$0x16400] =	vst v63  }
0x3a: {  	_ =	swait.ge [sflag:s0], $0x2000  }
0x3b: {  	[sflag:s0] =	ssyncset.done $0x0  }
0x3c: {  	s17 =	simm.s32 $0x8400;
	s16 =	sadd.s32 s5, s12;
	[sflag:s0] =	ssyncadd.s32 $0xFFFFE000  }
0x3d: {  	[hbm4b:s16+s2] =	stream.linear.scatter [tilespmem:s17], [sflag:$0x9], $0x2000, $0x38;
	[tilespmem:$0x16400] =	vst v63  }
0x3e: {  	_ =	swait.ge [sflag:s14], $0x2000  }
0x3f: {  	[sflag:s14] =	ssyncset.done $0x0  }
0x40: {  	s16 =	sadd.s32 @!p0 $0x80, s4;
	s17 =	simm.s32 @!p0 $0x8400;
	[sflag:s14] =	ssyncadd.s32 $0xFFFFE000  }
0x41: {  	[tilespmem:s17], [sflag:$0x2] =	stream.indirect.gather @!p0 [hbm4b:s3+s29], $0x40, s16, s29, $0xb8;
	[tilespmem:$0x16400] =	vst v63  }
0x42: {  	_ =	swait.ge [sflag:s1], $0x2000  }
0x43: {  	[sflag:s1] =	ssyncset.done $0x0  }
0x44: {  	s17 =	sadd.s32 s5, s11;
	[sflag:s1] =	ssyncadd.s32 $0xFFFFE000  }
0x45: {  	[hbm4b:s17+s2] =	stream.linear.scatter [tilespmem:s19], [sflag:$0x9], $0x2000, $0x38;
	[tilespmem:$0x16400] =	vst v63  }
0x46: {  	_ =	swait.ge [sflag:s14], $0x2000  }
0x47: {  	[sflag:s14] =	ssyncset.done $0x0  }
0x48: {  	s16 =	sadd.s32 @!p0 $0x100, s4;
	s17 =	simm.s32 @!p0 $0xA400;
	[sflag:s14] =	ssyncadd.s32 $0xFFFFE000  }
0x49: {  	[tilespmem:s17], [sflag:$0x3] =	stream.indirect.gather @!p0 [hbm4b:s3+s29], $0x40, s16, s29, $0xb8;
	[tilespmem:$0x16400] =	vst v63  }
0x4a: {  	_ =	swait.ge [sflag:s18], $0x2000  }
0x4b: {  	[sflag:s18] =	ssyncset.done $0x0  }
0x4c: {  	s17 =	sadd.s32 s5, s10;
	[sflag:s18] =	ssyncadd.s32 $0xFFFFE000  }
0x4d: {  	[hbm4b:s17+s2] =	stream.linear.scatter [tilespmem:s21], [sflag:$0x9], $0x2000, $0x38;
	[tilespmem:$0x16400] =	vst v63  }
0x4e: {  	_ =	swait.ge [sflag:s14], $0x2000  }
0x4f: {  	[sflag:s14] =	ssyncset.done $0x0  }
0x50: {  	s16 =	sadd.s32 @!p0 $0x180, s4;
	s17 =	simm.s32 @!p0 $0xC400;
	[sflag:s14] =	ssyncadd.s32 $0xFFFFE000  }
0x51: {  	[tilespmem:s17], [sflag:$0x4] =	stream.indirect.gather @!p0 [hbm4b:s3+s29], $0x40, s16, s29, $0xb8;
	[tilespmem:$0x16400] =	vst v63  }
0x52: {  	_ =	swait.ge [sflag:s20], $0x2000  }
0x53: {  	[sflag:s20] =	ssyncset.done $0x0  }
0x54: {  	s17 =	sadd.s32 s5, s9;
	[sflag:s20] =	ssyncadd.s32 $0xFFFFE000  }
0x55: {  	[hbm4b:s17+s2] =	stream.linear.scatter [tilespmem:s23], [sflag:$0x9], $0x2000, $0x38;
	[tilespmem:$0x16400] =	vst v63  }
0x56: {  	_ =	swait.ge [sflag:s14], $0x2000  }
0x57: {  	[sflag:s14] =	ssyncset.done $0x0  }
0x58: {  	s16 =	sadd.s32 @!p0 $0x200, s4;
	s17 =	simm.s32 @!p0 $0xE400;
	[sflag:s14] =	ssyncadd.s32 $0xFFFFE000  }
0x59: {  	[tilespmem:s17], [sflag:$0x5] =	stream.indirect.gather @!p0 [hbm4b:s3+s29], $0x40, s16, s29, $0xb8;
	[tilespmem:$0x16400] =	vst v63  }
0x5a: {  	_ =	swait.ge [sflag:s22], $0x2000  }
0x5b: {  	[sflag:s22] =	ssyncset.done $0x0  }
0x5c: {  	s17 =	sadd.s32 s5, s8;
	[sflag:s22] =	ssyncadd.s32 $0xFFFFE000  }
0x5d: {  	[hbm4b:s17+s2] =	stream.linear.scatter [tilespmem:s25], [sflag:$0x9], $0x2000, $0x38;
	[tilespmem:$0x16400] =	vst v63  }
0x5e: {  	_ =	swait.ge [sflag:s14], $0x2000  }
0x5f: {  	[sflag:s14] =	ssyncset.done $0x0  }
0x60: {  	s16 =	sadd.s32 @!p0 $0x280, s4;
	s17 =	simm.s32 @!p0 $0x10400;
	[sflag:s14] =	ssyncadd.s32 $0xFFFFE000  }
0x61: {  	[tilespmem:s17], [sflag:$0x6] =	stream.indirect.gather @!p0 [hbm4b:s3+s29], $0x40, s16, s29, $0xb8;
	[tilespmem:$0x16400] =	vst v63  }
0x62: {  	_ =	swait.ge [sflag:s24], $0x2000  }
0x63: {  	[sflag:s24] =	ssyncset.done $0x0  }
0x64: {  	s17 =	sadd.s32 s5, s7;
	[sflag:s24] =	ssyncadd.s32 $0xFFFFE000  }
0x65: {  	[hbm4b:s17+s2] =	stream.linear.scatter [tilespmem:s28], [sflag:$0x9], $0x2000, $0x38;
	[tilespmem:$0x16400] =	vst v63  }
0x66: {  	_ =	swait.ge [sflag:s14], $0x2000  }
0x67: {  	[sflag:s14] =	ssyncset.done $0x0  }
0x68: {  	s16 =	sadd.s32 @!p0 $0x300, s4;
	s17 =	simm.s32 @!p0 $0x12400;
	[sflag:s14] =	ssyncadd.s32 $0xFFFFE000  }
0x69: {  	[tilespmem:s17], [sflag:$0x7] =	stream.indirect.gather @!p0 [hbm4b:s3+s29], $0x40, s16, s29, $0xb8;
	[tilespmem:$0x16400] =	vst v63  }
0x6a: {  	_ =	swait.ge [sflag:s26], $0x2000  }
0x6b: {  	[sflag:s26] =	ssyncset.done $0x0  }
.Ltmp2:
0x6c: {  	s29 =	sadd.s32 s5, s6;
	[sflag:s26] =	ssyncadd.s32 $0xFFFFE000;
	(pc) =	sbr.rel @p0 .LBB2_4-.Ltmp2, $4  }
0x6d: {  	[hbm4b:s29+s2] =	stream.linear.scatter [tilespmem:s30], [sflag:$0x9], $0x2000, $0x38;
	[tilespmem:$0x16400] =	vst v63  }
0x6e: {  	_ =	swait.ge [sflag:s14], $0x2000  }
0x6f: {  	[sflag:s14] =	ssyncset.done $0x0  }
0x70: {  	[sflag:s14] =	ssyncadd.s32 $0xFFFFE000  }
.Ltmp3:
0x71: {  	(pc) =	sbr.rel .LBB2_2-.Ltmp3, $3  }
0x72: {  	_ =	sdelay $0x1  }
0x73: {  	s16 =	sadd.s32 $0x380, s4;
	s5 =	sadd.s32 $0x2000, s5;
	s4 =	sadd.s32 $0x400, s4  }
0x74: {  	[tilespmem:s30], [sflag:$0x8] =	stream.indirect.gather [hbm4b:s3+s15], $0x40, s16, s15, $0xb8;
	[tilespmem:$0x16400] =	vst v63  }
.LBB2_5:
0x75: {  	_ =	sfence.sel $0x180000  }
0x76: {  	[bflag:$0x0] =	sbarrier.arrive $0xFFFF  }
0x77: {  	_ =	strace $0x90000047  }
0x78: {  	s0 =	stileid.u32;
	[bflag:$0x2] =	sbarrier.arrive $0xFFFF  }
0x79: {  	p0 =	sne.s32 s0, $0x0;
	s0 =	rddreg [dreg:$0x3]  }
0x7a: {  	s0 =	sadd.s32 @!p0 $0x100000, s0  }
0x7b: {  	[sflag:s0] =	ssyncadd.tile.s32 @!p0 $0x1;
	_ =	shalt  }
.Lfunc_end2:
_tile_overlayer_lowered:
.L_overlay_start_2:
0x7c: {  	(tag) =	ssettag $0x2  }
0x7d: {  	s0 =	rddreg [dreg:$0x0];
	s2 =	stileid.u32  }
0x7e: {  	s1 =	rddreg [dreg:$0x1];
	p0 =	sne.s32 s2, $0x0  }
0x7f: {  	s3 =	rddreg [dreg:$0x2];
	[bflag:$0x3] =	sbarrier.arrive $0xFFFF;
	s2 =	simm.s32 @!p0 $0x1C09  }
0x80: {  	[timem:s3], [sflag:s2] =	dma.local @!p0 [hbm:s0], s1  }
0x81: {  	s0 =	simm.s32 @!p0 $0x9  }
0x82: {  	_ =	swait.ge @!p0 [sflag:s0], s1  }
0x83: {  	s1 =	ssub.s32 @!p0 $0x0, s1;
	[sflag:s0] =	ssyncset.done @!p0 $0x0  }
0x84: {  	[sflag:s0] =	ssyncadd.s32 @!p0 s1  }
0x85: {  	[bflag:$0x3] =	sbarrier.arrive $0xFFFF  }
0x86: {  	_ =	shalt  }

// kernel: sparse-core-data-format-call.cloned.1.call-start
scs
called_computation_lowered:
.L_overlay_start_0:
0x0: {  	s2 =	sld [smem:$0x3FD9]  }
0x1: {  	s3 =	sld [smem:$0x3FFE];
	_ =	sdelay $0x1  }
0x2: {  	s1 =	srdreg.scid  }
0x3: {  	s0 =	sand.u32 $0x1, s1  }
0x4: {  	s18 =	sshll.u32 s0, $0xA;
	s2 =	sadd.s32 s3, s2  }
0x5: {  	s2 =	sadd.s32 s2, s18  }
0x6: {  	[smem:$0x3FC6] =	sst s2  }
0x7: {  	_ = 	snop  }
0x8: {  	s2 =	sld [smem:$0x3FD0];
	(tm) =	ssettm $0x1  }
0x9: {  	s19 =	sld [smem:$0x3FFB];
	_ =	sdelay $0x3  }
0xa: {  	_ =	strace s19  }
0xb: {  	s3 =	sld [smem:$0x3FFC];
	_ =	sdelay $0x3  }
0xc: {  	_ =	strace s3  }
0xd: {  	s3 =	sld [smem:$0x3FFD];
	_ =	sdelay $0x3  }
0xe: {  	_ =	strace s3  }
0xf: {  	_ =	strace $0x8FFFFFFF  }
0x10: {  	s20 =	sld [smem:$0x3FDB];
	_ =	sdelay $0x1  }
0x11: {  	s4 =	simm.s32 $_scs_section_size  }
0x12: {  	s5 =	simm.s32 $_size__tile_overlayer_lowered;
	s6 =	simm.s32 $_tile_overlayer_lowered  }
0x13: {  	s23 =	simm.s32 $0x1BFF;
	s22 =	sshll.u32 s6, $0x1;
	s3 =	sadd.s32 s4, s20  }
0x14: {  	s7 =	simm.s32 $0x0;
	s21 =	sshll.u32 s5, $0x1;
	s5 =	sadd.s32 s22, s3  }
0x15: {  	[timem:s7], [sflag:s23] =	dma.local [hbm:s5], s21  }
0x16: {  	_ =	swait.ge [sflag:s23], s21  }
0x17: {  	s4 =	ssub.s32 $0x0, s21;
	[sflag:s23] =	ssyncset.done $0x0  }
0x18: {  	[sflag:s23] =	ssyncadd.s32 s4;
	_ =	sdelay $0x1  }
0x19: {  	s24 =	simm.s32 $0x1B8B  }
0x1a: {  	_ =	swait.ge [sflag:s24], $0x1  }
0x1b: {  	[sflag:s24] =	ssyncset.done $0x0  }
0x1c: {  	s26 =	simm.s32 $0x1B8E;
	s25 =	sld [smem:$0x3FFE];
	[sflag:s24] =	ssyncadd.s32 $0xFFFFFFFF  }
0x1d: {  	s27 =	simm.s32 $execute0_lowered;
	[smem:$0x3FD2] =	sst s26  }
0x1e: {  	s5 =	sshll.u32 s27, $0x1;
	_ =	strace $0x80000049;
	[dreg:$0x1] =	wrdreg $0xFFFFFFFF  }
0x1f: {  	s28 =	simm.s32 $_size_execute0_lowered;
	s3 =	sadd.s32 s3, s5;
	[dreg:$0x0] =	wrdreg $0x0  }
0x20: {  	s5 =	sshll.u32 s28, $0x1;
	[dreg:$0x2] =	wrdreg s3  }
0x21: {  	[dreg:$0x3] =	wrdreg s5  }
0x22: {  	[dreg:$0x4] =	wrdreg $0xC0  }
0x23: {  	_ =	task [dreg:s7], $0x5FFFF  }
0x24: {  	[dreg:$0x1] =	wrdreg $0xFFFFFFFF  }
0x25: {  	[dreg:$0x0] =	wrdreg $0x60  }
0x26: {  	[dreg:$0x2] =	wrdreg s25  }
0x27: {  	[dreg:$0x3] =	wrdreg s2  }
0x28: {  	[dreg:$0x4] =	wrdreg $0x9  }
0x29: {  	_ =	task.clear_ibuf [dreg:s7], $0x5FFFF;
	_ =	strace $0x90000049  }
0x2a: {  	s29 =	simm.s32 $0x9;
	_ =	strace $0x8000004B  }
0x2b: {  	_ =	swait.ge [sflag:s29], $0x1  }
0x2c: {  	[sflag:s29] =	ssyncadd.s32 $0xFFFFFFFF  }
0x2d: {  	_ =	strace $0x9000004B  }
0x2e: {  	_ =	sfence  }
0x2f: {  	s30 =	sld [smem:$0x0];
	_ =	sdelay $0x2  }
0x30: {  	s31 =	sshll.u32 s1, $0xD;
	s1 =	sshrl.u32 s1, $0x2  }
0x31: {  	s3 =	sand.u32 $0x4000, s31;
	s1 =	sadd.s32 s1, s30  }
0x32: {  	s0 =	sor.u32 s3, s0;
	s1 =	sshll.u32 s1, $0x11  }
0x33: {  	s0 =	sor.u32 s1, s0  }
0x34: {  	s0 =	sadd.s32 $0x8F2B, s0  }
0x35: {  	[sflag:s0] =	ssyncadd.remote.s32 $0x1  }
0x36: {  	_ =	sfence.sel $0xFFFF  }
0x37: {  	[dreg:$0x0] =	wrdreg $0xFFFFFFFF;
	(pc) =	sbr.abs _section_cstart, $3  }
0x38: {  	[dreg:$0x1] =	wrdreg $0xFFFFFFFF  }
0x39: {  	_ =	task.clear_ibuf [dreg:s7], $0x2FFFF;
	_ =	strace $0x9FFFFFFF  }
0x3a: {  	(tm) =	ssettm $0x7FFFFFFF  }
0x3b: {  	_ =	shalt  }
tec
execute0_lowered:
.L_overlay_start_1:
0x0: {  	(tag) =	ssettag $0x1  }
0x1: {  	s4 =	rddreg [dreg:$0x0]  }
0x2: {  	s2 =	rddreg [dreg:$0x1]  }
0x3: {  	s0 =	rddreg [dreg:$0x2];
	_ =	strace $0x8000004A  }
0x4: {  	s3 =	srdreg.scid;
	s1 =	stileid.u32;
	s6 =	simm.s32 $0x2  }
.Ltmp0:
0x5: {  	p0 =	por $0x0, $0x0;
	s10 =	simm.s32 $0x0;
	(pc) =	sbr.rel .LBB1_1-.Ltmp0, $4  }
0x6: {  	s11 =	simm.s32 $0x0;
	s8 =	simm.s32 $0x0;
	s5 =	sshll.u32 s3, $0x4  }
0x7: {  	s7 =	simm.s32 $0x0;
	s3 =	simm.s32 $0x1;
	s5 =	sand.u32 $0x10, s5  }
0x8: {  	s4 =	sadd.s32 $0x800, s4;
	[sflag:s3] =	ssyncpa.u1 $0x0;
	s5 =	sor.u32 s1, s5  }
0x9: {  	[sflag:s6] =	ssyncpa.u1 $0x0;
	s6 =	simm.s32 $0x0;
	s9 =	smov.u32 s5  }
.LBB1_7:
0xa: {  	s12 =	sadd.s32 $0x2, s8  }
0xb: {  	s10 =	sadd.s32 $0x20, s9;
	s14 =	smov.u32 s9;
	p2 =	sgt.s32 s12, $0xC7  }
0xc: {  	p1 =	slt.u32 s7, $0x2;
	s14 =	smov.u32 @p2 s10  }
0xd: {  	s7 =	sadd.s32 $0x1, s7;
	s12 =	simm.s32 @p2 $0x0;
	p2 =	sgt.s32 s14, $0x1F  }
0xe: {  	s14 =	smov.u32 @p2 s5;
	p2 =	sne.s32 s7, $0x66  }
.Ltmp1:
0xf: {  	_ = 	snop;
	(pc) =	sbr.rel @!p2 .LBB1_8-.Ltmp1, $4  }
0x10: {  	s13 =	simm.s32 @!p1 $0x2  }
0x11: {  	s11 =	smov.u32 s9;
	_ =	swait.ge @!p1 [sflag:s13], $0x4000  }
0x12: {  	p0 =	por !p0, !p0;
	s10 =	smov.u32 s8;
	[sflag:s13] =	ssyncset.done @!p1 $0x0  }
0x13: {  	s8 =	smov.u32 s12;
	[sflag:s13] =	ssyncadd.s32 @!p1 $0xFFFFC000;
	s9 =	smov.u32 s14  }
.LBB1_1:
0x14: {  	p1 =	sgt.u32 s7, $0x63  }
0x15: {  	s13 =	smul.u32 @!p1 $0x64000, s9  }
0x16: {  	s12 =	sxor.u32 @!p1 $0xFFFFFFFF, s7;
	s14 =	sshll.u32 @!p1 s8, $0xB  }
0x17: {  	s15 =	simm.s32 @!p1 $0x80;
	s12 =	sshll.u32 @!p1 s12, $0xE;
	s13 =	sadd.s32 @!p1 s4, s13  }
0x18: {  	s12 =	sand.u32 @!p1 $0x4000, s12;
	s13 =	sadd.s32 @!p1 s14, s13;
	s14 =	simm.s32 @!p1 $0x40  }
0x19: {  	[tilespmem:s12], [sflag:$0x1] =	stream.strided.gather @!p1 [hbm4b:s13+s14], $0x4000, s15, s14, $0x38;
	[tilespmem:$0x10100] =	vst v63  }
0x1a: {  	p1 =	seq.s32 s7, $0x0  }
0x1b: {  	p2 =	seq.s32 @!p1 s7, $0x65  }
0x1c: {  	p1 =	por p1, p2  }
.Ltmp2:
0x1d: {  	_ = 	snop;
	(pc) =	sbr.rel @p1 .LBB1_7-.Ltmp2, $1  }
0x1e: {  	_ =	sdelay $0x3  }
0x1f: {  	s12 =	simm.s32 $0x1;
	s14 =	sand.u32 $0x1, s7  }
0x20: {  	_ =	swait.ge [sflag:s3], $0x4000;
	s12 =	simm.s32 @!p0 $0x0;
	s14 =	smul.u32 $0x10200, s14  }
0x21: {  	p2 =	por $0x1, $0x1;
	[sflag:s3] =	ssyncset.done $0x0;
	s13 =	smul.u32 $0x10200, s12  }
0x22: {  	s15 =	sshll.u32 s12, $0x10;
	[sflag:s3] =	ssyncadd.s32 $0xFFFFC000;
	s30 =	sshrl.u32 s14, $0x2  }
0x23: {  	s31 =	sshrl.u32 s15, $0x2;
	s15 =	simm.s32 $0x0;
	s13 =	sshrl.u32 s13, $0x2  }
0x24: {  	s12 =	sor.u32 $0x8000, s30;
	s14 =	sadd.s32 $0x20, s31;
	s13 =	sor.u32 $0x8000, s13  }
.LBB1_3:
0x25: {  	s16 =	sshll.u32 s15, $0xD  }
0x26: {  	s16 =	sand.u32 $0x3FFFE000, s16  }
0x27: {  	s18 =	sadd.s32 s16, s14  }
0x28: {  	s31 =	smul.u32 $0x8100, s15;
	v3 =	vld [tilespmem:s18+$0x10]  }
0x29: {  	v1 =	vld [tilespmem:s18+$0xFFFFFFF0]  }
0x2a: {  	s15 =	sshra.s32 s31, $0x2;
	v0 =	vld [tilespmem:s18+$0x0]  }
0x2b: {  	s15 =	sadd.s32 s15, s13;
	v2 =	vld [tilespmem:s18+$0xFFFFFFE0]  }
0x2c: {  	s16 =	sadd.s32 $0x0, s15  }
0x2d: {  	p1 =	por p2, p2;
	s17 =	simm.s32 $0x4;
	s18 =	sadd.s32 $0x40, s18;
	[tilespmem:s16+$0x1830 ss:$0x81] =	vst.msk $0xffff, v3  }
.LBB1_4:
0x2e: {  	v3 =	vld [tilespmem:s18+$0x10];
	p2 =	sne.s32 s17, $0x1FC;
	[tilespmem:s16+$0x810 ss:$0x81] =	vst.msk $0xffff, v1;
	s19 =	smov.u32 s17;
	s17 =	sadd.s32 $0x4, s17  }
.Ltmp3:
0x2f: {  	v1 =	vld [tilespmem:s18+$0xFFFFFFF0];
	[tilespmem:s16+$0x1020 ss:$0x81] =	vst.msk $0xffff, v0;
	(pc) =	sbr.rel @p2 .LBB1_4-.Ltmp3, $4  }
0x30: {  	v0 =	vld [tilespmem:s18+$0x0];
	[tilespmem:s16+$0x0 ss:$0x81] =	vst.msk $0xffff, v2  }
0x31: {  	s16 =	sshra.s32 s19, $0x2;
	v2 =	vld [tilespmem:s18+$0xFFFFFFE0]  }
0x32: {  	s16 =	sadd.s32 s16, s15  }
0x33: {  	s18 =	sadd.s32 $0x40, s18;
	[tilespmem:s16+$0x1830 ss:$0x81] =	vst.msk $0xffff, v3  }
.Ltmp4:
0x34: {  	(pc) =	sbr.rel @p1 .LBB1_3-.Ltmp4, $4  }
0x35: {  	_ = 	snop  }
0x36: {  	[tilespmem:s16+$0x810 ss:$0x81] =	vst.msk $0xffff, v1  }
0x37: {  	[tilespmem:s16+$0x1020 ss:$0x81] =	vst.msk $0xffff, v0  }
0x38: {  	s15 =	simm.s32 $0x1;
	p2 =	por $0x0, $0x0;
	[tilespmem:s16+$0x0 ss:$0x81] =	vst.msk $0xffff, v2  }
0x39: {  	s11 =	smul.u32 $0x32000, s11  }
.Ltmp5:
0x3a: {  	_ = 	snop;
	(pc) =	sbr.rel .LBB1_7-.Ltmp5, $4  }
0x3b: {  	_ = 	snop  }
0x3c: {  	s10 =	sshll.u32 s10, $0xA;
	s11 =	sadd.s32 s2, s11  }
0x3d: {  	s10 =	sadd.s32 s10, s11  }
0x3e: {  	[hbm4b:s10+s6] =	stream.linear.scatter [tilespmem:s12], [sflag:$0x2], $0x4000, $0x20;
	[tilespmem:$0x10100] =	vst v63  }
.LBB1_8:
0x3f: {  	_ =	sfence.sel $0x180000  }
0x40: {  	s2 =	simm.s32 $0x1;
	[bflag:$0x0] =	sbarrier.arrive $0xFFFF  }
0x41: {  	s31 =	simm.s32 $0x2;
	[sflag:s2] =	ssyncpa.u1 $0x1  }
0x42: {  	[sflag:s31] =	ssyncpa.u1 $0x1  }
0x43: {  	p0 =	sne.s32 s1, $0x0;
	_ =	strace $0x9000004A  }
0x44: {  	s0 =	sadd.s32 @!p0 $0x100000, s0;
	[bflag:$0x2] =	sbarrier.arrive $0xFFFF  }
0x45: {  	[sflag:s0] =	ssyncadd.tile.s32 @!p0 $0x1;
	_ =	shalt  }
.Lfunc_end1:
_tile_overlayer_lowered:
.L_overlay_start_2:
0x46: {  	(tag) =	ssettag $0x2  }
0x47: {  	s0 =	rddreg [dreg:$0x0];
	s2 =	stileid.u32  }
0x48: {  	s1 =	rddreg [dreg:$0x1];
	p0 =	sne.s32 s2, $0x0  }
0x49: {  	s3 =	rddreg [dreg:$0x2];
	[bflag:$0x3] =	sbarrier.arrive $0xFFFF;
	s2 =	simm.s32 @!p0 $0x1C01  }
0x4a: {  	[timem:s3], [sflag:s2] =	dma.local @!p0 [hbm:s0], s1  }
0x4b: {  	s0 =	simm.s32 @!p0 $0x1  }
0x4c: {  	_ =	swait.ge @!p0 [sflag:s0], s1  }
0x4d: {  	s1 =	ssub.s32 @!p0 $0x0, s1;
	[sflag:s0] =	ssyncset.done @!p0 $0x0  }
0x4e: {  	[sflag:s0] =	ssyncadd.s32 @!p0 s1  }
0x4f: {  	[bflag:$0x3] =	sbarrier.arrive $0xFFFF  }
0x50: {  	_ =	shalt  }

</sc_bundles>
